<compile_context>
chip_gen: v7x
topology: tpu7x:2x2x1
jax: 0.10.2.dev20260603
libtpu: 0.0.44.dev20260713+nightly
codegen_flags: <defaults>
</compile_context>

<pallas_src>
import functools

import jax
import jax.numpy as jnp
from jax import lax
from jax.experimental import pallas as pl
from jax.experimental.pallas import tpu as pltpu
from jax.experimental.pallas import tpu_sc as plsc

B = 512
NUM_AGENTS = 64
NUM_HIVES = 16
NUM_ENTITIES = 80
LANES = 16
NUM_WORKERS = 32
A_PER_W = NUM_AGENTS // NUM_WORKERS
NUM_BG = B // LANES


def _sc_vote_body(votes_hbm, cnt_hbm, votes_v, counts_v, sem0, sem1):
    c = lax.axis_index("c")
    s = lax.axis_index("s")
    wid = s * 2 + c
    a0 = wid * A_PER_W

    cp0 = pltpu.make_async_copy(votes_hbm.at[a0], votes_v.at[0], sem0)
    cp1 = pltpu.make_async_copy(votes_hbm.at[a0 + 1], votes_v.at[1], sem1)
    cp0.start()
    cp1.start()

    lane = lax.iota(jnp.int32, LANES)
    zero16 = jnp.zeros((LANES,), jnp.float32)
    ones16 = jnp.ones((LANES,), jnp.float32)

    def zero_body(j, carry):
        for h in range(NUM_HIVES):
            counts_v[h, pl.ds(j * LANES, LANES)] = zero16
        return carry

    lax.fori_loop(0, B // LANES, zero_body, 0)
    cp0.wait()
    cp1.wait()

    def half_scan(a, bg, h_lo):
        best_val = votes_v[a, h_lo, pl.ds(bg * LANES, LANES)]
        best_idx = jnp.full((LANES,), h_lo, jnp.int32)
        for h in range(h_lo + 1, h_lo + 8):
            col = votes_v[a, h, pl.ds(bg * LANES, LANES)]
            m = col > best_val
            best_val = jnp.where(m, col, best_val)
            best_idx = jnp.where(m, jnp.full((LANES,), h, jnp.int32), best_idx)
        return best_val, best_idx

    def bg_body(i, carry):
        for u in range(2):
            bg = i * 2 + u
            b_vec = bg * LANES + lane
            for a in range(A_PER_W):
                val_lo, idx_lo = half_scan(a, bg, 0)
                val_hi, idx_hi = half_scan(a, bg, 8)
                m = val_hi > val_lo
                best_idx = jnp.where(m, idx_hi, idx_lo)
                plsc.addupdate_scatter(counts_v, [best_idx, b_vec], ones16)
        return carry

    lax.fori_loop(0, NUM_BG // 2, bg_body, 0)

    pltpu.sync_copy(counts_v, cnt_hbm.at[pl.ds(wid * NUM_HIVES, NUM_HIVES)])


_sc_vote = functools.partial(
    pl.kernel,
    out_type=jax.ShapeDtypeStruct((NUM_WORKERS * NUM_HIVES, B), jnp.float32),
    mesh=plsc.VectorSubcoreMesh(core_axis_name="c", subcore_axis_name="s"),
    compiler_params=pltpu.CompilerParams(needs_layout_passes=False),
    scratch_types=[
        pltpu.VMEM((A_PER_W, NUM_HIVES, B), jnp.float32),
        pltpu.VMEM((NUM_HIVES, B), jnp.float32),
        pltpu.SemaphoreType.DMA,
        pltpu.SemaphoreType.DMA,
    ],
)(_sc_vote_body)


def _tc_mov_body(mv_ref, movsum_ref):
    mv = mv_ref[...]
    norms = jnp.sqrt(jnp.sum(mv * mv, axis=1))
    movsum_ref[...] = jnp.reshape(jnp.sum(norms), (1, 1))


def _tc_cost_body(cnt_ref, hv_ref, movsum_ref, cost_ref, mf_ref):
    parts = cnt_ref[...].reshape(NUM_WORKERS, NUM_HIVES, B)
    counts = jnp.sum(parts, axis=0)
    mf = jnp.max(counts, axis=0) * (1.0 / NUM_AGENTS)
    val = jnp.sum(counts * hv_ref[:, 0, :], axis=0)
    term = val * (1.0 + jnp.exp(30.0 * (mf - 0.7))) * (1.0 / 100.0)

    cost_ref[...] = jnp.reshape(movsum_ref[0, 0] - jnp.sum(term), (1, 1))
    mf_ref[...] = jnp.reshape(mf, (1, B))


def kernel(movements, utterances, votes, hive_values, locations):
    votes_t = jnp.transpose(votes, (1, 2, 0))
    parts = _sc_vote(votes_t)
    hv_t = jnp.transpose(hive_values, (1, 2, 0))
    mv_t = jnp.transpose(movements, (1, 2, 0))
    movsum = pl.pallas_call(
        _tc_mov_body,
        out_shape=jax.ShapeDtypeStruct((1, 1), jnp.float32),
    )(mv_t)
    cost, mf = pl.pallas_call(
        _tc_cost_body,
        out_shape=(jax.ShapeDtypeStruct((1, 1), jnp.float32),
                   jax.ShapeDtypeStruct((1, B), jnp.float32)),
    )(parts, hv_t, movsum)
    return (cost[0, 0], mf.reshape(B))

# --- scband reference (transcript-rebuilt; emitter-appended) ---
"""Pipeline reference for scband-bee-game-module-12214886990702 (READ-ONLY COPY).

The authoritative reference and input builder live on the scoring server;
editing this copy changes nothing except your own understanding.
"""

import jax, jax.numpy as jnp
import numpy as np

B = 512
NUM_SWARM = 48
NUM_SCOUTS = 16
NUM_HIVES = 16
NUM_AGENTS = NUM_SWARM + NUM_SCOUTS  # 64
NUM_ENTITIES = NUM_AGENTS + NUM_HIVES  # 80
VOCAB = 32
WORLD_DIM = 10.0


def setup_inputs(seed: int = 0) -> dict:
    key = jax.random.key(seed)
    k1, k2, k3, k4, k5 = jax.random.split(key, 5)
    movements = jax.random.normal(k1, (B, NUM_ENTITIES, 2), dtype=jnp.float32)
    utterances = jax.random.normal(k2, (B, NUM_AGENTS, VOCAB), dtype=jnp.float32)
    votes = jax.random.normal(k3, (B, NUM_AGENTS, NUM_HIVES), dtype=jnp.float32)
    # module state created in __init__
    hive_values = jax.random.uniform(k4, (B, NUM_HIVES, 1), dtype=jnp.float32)
    locations = jax.random.uniform(k5, (B, NUM_ENTITIES, 2), dtype=jnp.float32) * WORLD_DIM
    return {"movements": movements, "utterances": utterances, "votes": votes,
            "hive_values": hive_values, "locations": locations}


def reference(movements, utterances, votes, hive_values, locations):
    # state updates from forward() (do not affect returned cost)
    new_locations = locations + movements
    agent_baselines = new_locations[:, :NUM_AGENTS]
    observations = new_locations[:, None, :, :] - agent_baselines[:, :, None, :]  # noqa: F841 (state)

    # compute_movement_cost
    movement_cost = jnp.sum(jnp.sqrt(jnp.sum(movements ** 2, axis=-1)))

    # compute_vote_cost
    d, k, t = 100.0, 30.0, 0.7
    agent_vote = jnp.argmax(votes, axis=2)  # [B, A]

    # value(): per-batch gather of hive_values at each agent's chosen hive, summed
    hv = jnp.squeeze(hive_values, axis=-1)  # [B, H]
    values = jnp.sum(jnp.take_along_axis(hv, agent_vote, axis=1), axis=1)  # [B]

    # max_freq(): histogram of votes per batch over hive ids, take max frequency.
    # torch version stacks counts for each unique vote id; absent ids have count 0
    # and never win the max, so counting over all hive ids is equivalent.
    counts = jnp.sum(jax.nn.one_hot(agent_vote, NUM_HIVES, dtype=jnp.float32), axis=1)  # [B, H]
    max_freq = jnp.max(counts, axis=1) / NUM_AGENTS  # [B]

    discount = d * (1.0 - jax.nn.sigmoid(k * (max_freq - t)))
    vote_cost = -(values / discount).sum()
    return (vote_cost + movement_cost, max_freq)

if __name__ == "__main__":
    import jax
    _d = setup_inputs()
    print(jax.jit(kernel)(*tuple(_d.values())))

</pallas_src>

<mosaic_0001>
#map = affine_map<(d0, d1) -> (0, 0, 0)>
#map1 = affine_map<(d0, d1) -> (0, 0)>
module attributes {stable_mosaic.version = 14 : i64} {
  func.func @_sc_vote_body(%arg0: i32, %arg1: i32, %arg2: memref<64x16x512xf32, #tpu.memory_space<hbm>>, %arg3: memref<512x512xf32, #tpu.memory_space<hbm>>, %arg4: memref<2x16x512xf32, #tpu.memory_space<vmem>>, %arg5: memref<16x512xf32, #tpu.memory_space<vmem>>, %arg6: memref<!tpu.dma_semaphore, #tpu.memory_space<semaphore_mem>>, %arg7: memref<!tpu.dma_semaphore, #tpu.memory_space<semaphore_mem>>) attributes {dimension_semantics = [#tpu.dimension_semantics<core_parallel>, #tpu.dimension_semantics<subcore_parallel>], iteration_bounds = array<i64: 2, 16>, scalar_prefetch = 0 : i64, scratch_operands = 4 : i64, tpu.core_type = #tpu.core_type<sc_vector_subcore>, window_params = [{transform_indices = #map}, {transform_indices = #map1}]} {
    %mul3A = arith.constant 2 : i32
    %mul3A_0 = arith.muli %arg1, %mul3A : i32
    %add3A = arith.addi %mul3A_0, %arg0 : i32
    %mul3A_1 = arith.constant 2 : i32
    %mul3A_2 = arith.muli %add3A, %mul3A_1 : i32
    %add3A_3 = arith.constant 1 : i32
    %add3A_4 = arith.addi %mul3A_2, %add3A_3 : i32
    %dma_start3A = arith.constant 0 : i32
    %dma_start3A_5 = arith.constant 0 : i32
    %dma_start3A_6 = arith.constant 0 : i32
    %dma_start3A_7 = tpu.memref_slice %arg4[%dma_start3A, %dma_start3A_5, %dma_start3A_6] : memref<2x16x512xf32, #tpu.memory_space<vmem>> -> memref<1x16x512xf32, #tpu.memory_space<vmem>>
    %dma_start3A_8 = tpu.memref_squeeze %dma_start3A_7 : memref<1x16x512xf32, #tpu.memory_space<vmem>> -> memref<16x512xf32, #tpu.memory_space<vmem>>
    %dma_start3A_9 = arith.constant 0 : i32
    %dma_start3A_10 = arith.constant 0 : i32
    %dma_start3A_11 = tpu.memref_slice %arg2[%mul3A_2, %dma_start3A_9, %dma_start3A_10] : memref<64x16x512xf32, #tpu.memory_space<hbm>> -> memref<1x16x512xf32, #tpu.memory_space<hbm>>
    %dma_start3A_12 = tpu.memref_squeeze %dma_start3A_11 : memref<1x16x512xf32, #tpu.memory_space<hbm>> -> memref<16x512xf32, #tpu.memory_space<hbm>>
    %dma_start3A_13 = arith.constant 0 : i32
    %dma_start3A_14 = arith.constant 0 : i32
    %dma_start3A_15 = tpu.memref_slice %arg4[%dma_start3A, %dma_start3A_13, %dma_start3A_14] : memref<2x16x512xf32, #tpu.memory_space<vmem>> -> memref<1x16x512xf32, #tpu.memory_space<vmem>>
    %dma_start3A_16 = tpu.memref_squeeze %dma_start3A_15 : memref<1x16x512xf32, #tpu.memory_space<vmem>> -> memref<16x512xf32, #tpu.memory_space<vmem>>
    %dma_start3A_17 = arith.constant 0 : i32
    %dma_start3A_18 = arith.constant 0 : i32
    %dma_start3A_19 = tpu.memref_slice %arg2[%mul3A_2, %dma_start3A_17, %dma_start3A_18] : memref<64x16x512xf32, #tpu.memory_space<hbm>> -> memref<1x16x512xf32, #tpu.memory_space<hbm>>
    %dma_start3A_20 = tpu.memref_squeeze %dma_start3A_19 : memref<1x16x512xf32, #tpu.memory_space<hbm>> -> memref<16x512xf32, #tpu.memory_space<hbm>>
    tpu.enqueue_dma source(%dma_start3A_20 : memref<16x512xf32, #tpu.memory_space<hbm>>) target(%dma_start3A_16 : memref<16x512xf32, #tpu.memory_space<vmem>>) target_semaphore(%arg6 : memref<!tpu.dma_semaphore, #tpu.memory_space<semaphore_mem>>)
    %dma_start3A_21 = arith.constant 1 : i32
    %dma_start3A_22 = arith.constant 0 : i32
    %dma_start3A_23 = arith.constant 0 : i32
    %dma_start3A_24 = tpu.memref_slice %arg4[%dma_start3A_21, %dma_start3A_22, %dma_start3A_23] : memref<2x16x512xf32, #tpu.memory_space<vmem>> -> memref<1x16x512xf32, #tpu.memory_space<vmem>>
    %dma_start3A_25 = tpu.memref_squeeze %dma_start3A_24 : memref<1x16x512xf32, #tpu.memory_space<vmem>> -> memref<16x512xf32, #tpu.memory_space<vmem>>
    %dma_start3A_26 = arith.constant 0 : i32
    %dma_start3A_27 = arith.constant 0 : i32
    %dma_start3A_28 = tpu.memref_slice %arg2[%add3A_4, %dma_start3A_26, %dma_start3A_27] : memref<64x16x512xf32, #tpu.memory_space<hbm>> -> memref<1x16x512xf32, #tpu.memory_space<hbm>>
    %dma_start3A_29 = tpu.memref_squeeze %dma_start3A_28 : memref<1x16x512xf32, #tpu.memory_space<hbm>> -> memref<16x512xf32, #tpu.memory_space<hbm>>
    %dma_start3A_30 = arith.constant 0 : i32
    %dma_start3A_31 = arith.constant 0 : i32
    %dma_start3A_32 = tpu.memref_slice %arg4[%dma_start3A_21, %dma_start3A_30, %dma_start3A_31] : memref<2x16x512xf32, #tpu.memory_space<vmem>> -> memref<1x16x512xf32, #tpu.memory_space<vmem>>
    %dma_start3A_33 = tpu.memref_squeeze %dma_start3A_32 : memref<1x16x512xf32, #tpu.memory_space<vmem>> -> memref<16x512xf32, #tpu.memory_space<vmem>>
    %dma_start3A_34 = arith.constant 0 : i32
    %dma_start3A_35 = arith.constant 0 : i32
    %dma_start3A_36 = tpu.memref_slice %arg2[%add3A_4, %dma_start3A_34, %dma_start3A_35] : memref<64x16x512xf32, #tpu.memory_space<hbm>> -> memref<1x16x512xf32, #tpu.memory_space<hbm>>
    %dma_start3A_37 = tpu.memref_squeeze %dma_start3A_36 : memref<1x16x512xf32, #tpu.memory_space<hbm>> -> memref<16x512xf32, #tpu.memory_space<hbm>>
    tpu.enqueue_dma source(%dma_start3A_37 : memref<16x512xf32, #tpu.memory_space<hbm>>) target(%dma_start3A_33 : memref<16x512xf32, #tpu.memory_space<vmem>>) target_semaphore(%arg7 : memref<!tpu.dma_semaphore, #tpu.memory_space<semaphore_mem>>)
    %iota3A = tpu.iota {dimensions = array<i32: 0>} : vector<16xi32>
    %broadcast_in_dim3A = arith.constant 0.000000e+00 : f32
    %broadcast_in_dim3A_38 = vector.broadcast %broadcast_in_dim3A : f32 to vector<16xf32>
    %broadcast_in_dim3A_39 = arith.constant 1.000000e+00 : f32
    %broadcast_in_dim3A_40 = vector.broadcast %broadcast_in_dim3A_39 : f32 to vector<16xf32>
    %scan3A = arith.constant 0 : i32
    %scan3A_41 = arith.constant 0 : i32
    %scan3A_42 = arith.constant 32 : i32
    %scan3A_43 = arith.addi %scan3A_41, %scan3A_42 : i32
    %scan3A_44 = arith.constant 1 : i32
    scf.for %scan3A_87 = %scan3A_41 to %scan3A_43 step %scan3A_44  : i32 {
      %mul3A_88 = arith.constant 16 : i32
      %mul3A_89 = arith.muli %scan3A_87, %mul3A_88 : i32
      %swap3A = arith.constant 0 : i32
      %swap3A_90 = arith.index_cast %swap3A : i32 to index
      %swap3A_91 = arith.index_cast %mul3A_89 : i32 to index
      %swap3A_92 = tpu.vector_load %arg5[%swap3A_90, %swap3A_91] {strides = array<i32>} : memref<16x512xf32, #tpu.memory_space<vmem>>, vector<16xf32>,
      tpu.vector_store %arg5[%swap3A_90, %swap3A_91], %broadcast_in_dim3A_38 {strides = array<i32>} : memref<16x512xf32, #tpu.memory_space<vmem>>, vector<16xf32>,
      %mul3A_93 = arith.constant 16 : i32
      %mul3A_94 = arith.muli %scan3A_87, %mul3A_93 : i32
      %swap3A_95 = arith.constant 1 : i32
      %swap3A_96 = arith.index_cast %swap3A_95 : i32 to index
      %swap3A_97 = arith.index_cast %mul3A_94 : i32 to index
      %swap3A_98 = tpu.vector_load %arg5[%swap3A_96, %swap3A_97] {strides = array<i32>} : memref<16x512xf32, #tpu.memory_space<vmem>>, vector<16xf32>,
      tpu.vector_store %arg5[%swap3A_96, %swap3A_97], %broadcast_in_dim3A_38 {strides = array<i32>} : memref<16x512xf32, #tpu.memory_space<vmem>>, vector<16xf32>,
      %mul3A_99 = arith.constant 16 : i32
      %mul3A_100 = arith.muli %scan3A_87, %mul3A_99 : i32
      %swap3A_101 = arith.constant 2 : i32
      %swap3A_102 = arith.index_cast %swap3A_101 : i32 to index
      %swap3A_103 = arith.index_cast %mul3A_100 : i32 to index
      %swap3A_104 = tpu.vector_load %arg5[%swap3A_102, %swap3A_103] {strides = array<i32>} : memref<16x512xf32, #tpu.memory_space<vmem>>, vector<16xf32>,
      tpu.vector_store %arg5[%swap3A_102, %swap3A_103], %broadcast_in_dim3A_38 {strides = array<i32>} : memref<16x512xf32, #tpu.memory_space<vmem>>, vector<16xf32>,
      %mul3A_105 = arith.constant 16 : i32
      %mul3A_106 = arith.muli %scan3A_87, %mul3A_105 : i32
      %swap3A_107 = arith.constant 3 : i32
      %swap3A_108 = arith.index_cast %swap3A_107 : i32 to index
      %swap3A_109 = arith.index_cast %mul3A_106 : i32 to index
      %swap3A_110 = tpu.vector_load %arg5[%swap3A_108, %swap3A_109] {strides = array<i32>} : memref<16x512xf32, #tpu.memory_space<vmem>>, vector<16xf32>,
      tpu.vector_store %arg5[%swap3A_108, %swap3A_109], %broadcast_in_dim3A_38 {strides = array<i32>} : memref<16x512xf32, #tpu.memory_space<vmem>>, vector<16xf32>,
      %mul3A_111 = arith.constant 16 : i32
      %mul3A_112 = arith.muli %scan3A_87, %mul3A_111 : i32
      %swap3A_113 = arith.constant 4 : i32
      %swap3A_114 = arith.index_cast %swap3A_113 : i32 to index
      %swap3A_115 = arith.index_cast %mul3A_112 : i32 to index
      %swap3A_116 = tpu.vector_load %arg5[%swap3A_114, %swap3A_115] {strides = array<i32>} : memref<16x512xf32, #tpu.memory_space<vmem>>, vector<16xf32>,
      tpu.vector_store %arg5[%swap3A_114, %swap3A_115], %broadcast_in_dim3A_38 {strides = array<i32>} : memref<16x512xf32, #tpu.memory_space<vmem>>, vector<16xf32>,
      %mul3A_117 = arith.constant 16 : i32
      %mul3A_118 = arith.muli %scan3A_87, %mul3A_117 : i32
      %swap3A_119 = arith.constant 5 : i32
      %swap3A_120 = arith.index_cast %swap3A_119 : i32 to index
      %swap3A_121 = arith.index_cast %mul3A_118 : i32 to index
      %swap3A_122 = tpu.vector_load %arg5[%swap3A_120, %swap3A_121] {strides = array<i32>} : memref<16x512xf32, #tpu.memory_space<vmem>>, vector<16xf32>,
      tpu.vector_store %arg5[%swap3A_120, %swap3A_121], %broadcast_in_dim3A_38 {strides = array<i32>} : memref<16x512xf32, #tpu.memory_space<vmem>>, vector<16xf32>,
      %mul3A_123 = arith.constant 16 : i32
      %mul3A_124 = arith.muli %scan3A_87, %mul3A_123 : i32
      %swap3A_125 = arith.constant 6 : i32
      %swap3A_126 = arith.index_cast %swap3A_125 : i32 to index
      %swap3A_127 = arith.index_cast %mul3A_124 : i32 to index
      %swap3A_128 = tpu.vector_load %arg5[%swap3A_126, %swap3A_127] {strides = array<i32>} : memref<16x512xf32, #tpu.memory_space<vmem>>, vector<16xf32>,
      tpu.vector_store %arg5[%swap3A_126, %swap3A_127], %broadcast_in_dim3A_38 {strides = array<i32>} : memref<16x512xf32, #tpu.memory_space<vmem>>, vector<16xf32>,
      %mul3A_129 = arith.constant 16 : i32
      %mul3A_130 = arith.muli %scan3A_87, %mul3A_129 : i32
      %swap3A_131 = arith.constant 7 : i32
      %swap3A_132 = arith.index_cast %swap3A_131 : i32 to index
      %swap3A_133 = arith.index_cast %mul3A_130 : i32 to index
      %swap3A_134 = tpu.vector_load %arg5[%swap3A_132, %swap3A_133] {strides = array<i32>} : memref<16x512xf32, #tpu.memory_space<vmem>>, vector<16xf32>,
      tpu.vector_store %arg5[%swap3A_132, %swap3A_133], %broadcast_in_dim3A_38 {strides = array<i32>} : memref<16x512xf32, #tpu.memory_space<vmem>>, vector<16xf32>,
      %mul3A_135 = arith.constant 16 : i32
      %mul3A_136 = arith.muli %scan3A_87, %mul3A_135 : i32
      %swap3A_137 = arith.constant 8 : i32
      %swap3A_138 = arith.index_cast %swap3A_137 : i32 to index
      %swap3A_139 = arith.index_cast %mul3A_136 : i32 to index
      %swap3A_140 = tpu.vector_load %arg5[%swap3A_138, %swap3A_139] {strides = array<i32>} : memref<16x512xf32, #tpu.memory_space<vmem>>, vector<16xf32>,
      tpu.vector_store %arg5[%swap3A_138, %swap3A_139], %broadcast_in_dim3A_38 {strides = array<i32>} : memref<16x512xf32, #tpu.memory_space<vmem>>, vector<16xf32>,
      %mul3A_141 = arith.constant 16 : i32
      %mul3A_142 = arith.muli %scan3A_87, %mul3A_141 : i32
      %swap3A_143 = arith.constant 9 : i32
      %swap3A_144 = arith.index_cast %swap3A_143 : i32 to index
      %swap3A_145 = arith.index_cast %mul3A_142 : i32 to index
      %swap3A_146 = tpu.vector_load %arg5[%swap3A_144, %swap3A_145] {strides = array<i32>} : memref<16x512xf32, #tpu.memory_space<vmem>>, vector<16xf32>,
      tpu.vector_store %arg5[%swap3A_144, %swap3A_145], %broadcast_in_dim3A_38 {strides = array<i32>} : memref<16x512xf32, #tpu.memory_space<vmem>>, vector<16xf32>,
      %mul3A_147 = arith.constant 16 : i32
      %mul3A_148 = arith.muli %scan3A_87, %mul3A_147 : i32
      %swap3A_149 = arith.constant 10 : i32
      %swap3A_150 = arith.index_cast %swap3A_149 : i32 to index
      %swap3A_151 = arith.index_cast %mul3A_148 : i32 to index
      %swap3A_152 = tpu.vector_load %arg5[%swap3A_150, %swap3A_151] {strides = array<i32>} : memref<16x512xf32, #tpu.memory_space<vmem>>, vector<16xf32>,
      tpu.vector_store %arg5[%swap3A_150, %swap3A_151], %broadcast_in_dim3A_38 {strides = array<i32>} : memref<16x512xf32, #tpu.memory_space<vmem>>, vector<16xf32>,
      %mul3A_153 = arith.constant 16 : i32
      %mul3A_154 = arith.muli %scan3A_87, %mul3A_153 : i32
      %swap3A_155 = arith.constant 11 : i32
      %swap3A_156 = arith.index_cast %swap3A_155 : i32 to index
      %swap3A_157 = arith.index_cast %mul3A_154 : i32 to index
      %swap3A_158 = tpu.vector_load %arg5[%swap3A_156, %swap3A_157] {strides = array<i32>} : memref<16x512xf32, #tpu.memory_space<vmem>>, vector<16xf32>,
      tpu.vector_store %arg5[%swap3A_156, %swap3A_157], %broadcast_in_dim3A_38 {strides = array<i32>} : memref<16x512xf32, #tpu.memory_space<vmem>>, vector<16xf32>,
      %mul3A_159 = arith.constant 16 : i32
      %mul3A_160 = arith.muli %scan3A_87, %mul3A_159 : i32
      %swap3A_161 = arith.constant 12 : i32
      %swap3A_162 = arith.index_cast %swap3A_161 : i32 to index
      %swap3A_163 = arith.index_cast %mul3A_160 : i32 to index
      %swap3A_164 = tpu.vector_load %arg5[%swap3A_162, %swap3A_163] {strides = array<i32>} : memref<16x512xf32, #tpu.memory_space<vmem>>, vector<16xf32>,
      tpu.vector_store %arg5[%swap3A_162, %swap3A_163], %broadcast_in_dim3A_38 {strides = array<i32>} : memref<16x512xf32, #tpu.memory_space<vmem>>, vector<16xf32>,
      %mul3A_165 = arith.constant 16 : i32
      %mul3A_166 = arith.muli %scan3A_87, %mul3A_165 : i32
      %swap3A_167 = arith.constant 13 : i32
      %swap3A_168 = arith.index_cast %swap3A_167 : i32 to index
      %swap3A_169 = arith.index_cast %mul3A_166 : i32 to index
      %swap3A_170 = tpu.vector_load %arg5[%swap3A_168, %swap3A_169] {strides = array<i32>} : memref<16x512xf32, #tpu.memory_space<vmem>>, vector<16xf32>,
      tpu.vector_store %arg5[%swap3A_168, %swap3A_169], %broadcast_in_dim3A_38 {strides = array<i32>} : memref<16x512xf32, #tpu.memory_space<vmem>>, vector<16xf32>,
      %mul3A_171 = arith.constant 16 : i32
      %mul3A_172 = arith.muli %scan3A_87, %mul3A_171 : i32
      %swap3A_173 = arith.constant 14 : i32
      %swap3A_174 = arith.index_cast %swap3A_173 : i32 to index
      %swap3A_175 = arith.index_cast %mul3A_172 : i32 to index
      %swap3A_176 = tpu.vector_load %arg5[%swap3A_174, %swap3A_175] {strides = array<i32>} : memref<16x512xf32, #tpu.memory_space<vmem>>, vector<16xf32>,
      tpu.vector_store %arg5[%swap3A_174, %swap3A_175], %broadcast_in_dim3A_38 {strides = array<i32>} : memref<16x512xf32, #tpu.memory_space<vmem>>, vector<16xf32>,
      %mul3A_177 = arith.constant 16 : i32
      %mul3A_178 = arith.muli %scan3A_87, %mul3A_177 : i32
      %swap3A_179 = arith.constant 15 : i32
      %swap3A_180 = arith.index_cast %swap3A_179 : i32 to index
      %swap3A_181 = arith.index_cast %mul3A_178 : i32 to index
      %swap3A_182 = tpu.vector_load %arg5[%swap3A_180, %swap3A_181] {strides = array<i32>} : memref<16x512xf32, #tpu.memory_space<vmem>>, vector<16xf32>,
      tpu.vector_store %arg5[%swap3A_180, %swap3A_181], %broadcast_in_dim3A_38 {strides = array<i32>} : memref<16x512xf32, #tpu.memory_space<vmem>>, vector<16xf32>,
    }
    %scan3A_45 = arith.constant 32 : i32
    %dma_wait3A = arith.constant 0 : i32
    %dma_wait3A_46 = arith.constant 0 : i32
    %dma_wait3A_47 = arith.constant 0 : i32
    %dma_wait3A_48 = tpu.memref_slice %arg4[%dma_wait3A, %dma_wait3A_46, %dma_wait3A_47] : memref<2x16x512xf32, #tpu.memory_space<vmem>> -> memref<1x16x512xf32, #tpu.memory_space<vmem>>
    %dma_wait3A_49 = tpu.memref_squeeze %dma_wait3A_48 : memref<1x16x512xf32, #tpu.memory_space<vmem>> -> memref<16x512xf32, #tpu.memory_space<vmem>>
    %dma_wait3A_50 = arith.constant 0 : i32
    %dma_wait3A_51 = arith.constant 0 : i32
    %dma_wait3A_52 = tpu.memref_slice %arg2[%mul3A_2, %dma_wait3A_50, %dma_wait3A_51] : memref<64x16x512xf32, #tpu.memory_space<hbm>> -> memref<1x16x512xf32, #tpu.memory_space<hbm>>
    %dma_wait3A_53 = tpu.memref_squeeze %dma_wait3A_52 : memref<1x16x512xf32, #tpu.memory_space<hbm>> -> memref<16x512xf32, #tpu.memory_space<hbm>>
    %dma_wait3A_54 = arith.constant 0 : i32
    %dma_wait3A_55 = arith.constant 0 : i32
    %dma_wait3A_56 = tpu.memref_slice %arg4[%dma_wait3A, %dma_wait3A_54, %dma_wait3A_55] : memref<2x16x512xf32, #tpu.memory_space<vmem>> -> memref<1x16x512xf32, #tpu.memory_space<vmem>>
    %dma_wait3A_57 = tpu.memref_squeeze %dma_wait3A_56 : memref<1x16x512xf32, #tpu.memory_space<vmem>> -> memref<16x512xf32, #tpu.memory_space<vmem>>
    %dma_wait3A_58 = arith.constant 0 : i32
    %dma_wait3A_59 = arith.constant 0 : i32
    %dma_wait3A_60 = tpu.memref_slice %arg2[%mul3A_2, %dma_wait3A_58, %dma_wait3A_59] : memref<64x16x512xf32, #tpu.memory_space<hbm>> -> memref<1x16x512xf32, #tpu.memory_space<hbm>>
    %dma_wait3A_61 = tpu.memref_squeeze %dma_wait3A_60 : memref<1x16x512xf32, #tpu.memory_space<hbm>> -> memref<16x512xf32, #tpu.memory_space<hbm>>
    tpu.wait_dma2 semaphore(%arg6 : memref<!tpu.dma_semaphore, #tpu.memory_space<semaphore_mem>>) src(%dma_wait3A_61 : memref<16x512xf32, #tpu.memory_space<hbm>>) dst(%dma_wait3A_57 : memref<16x512xf32, #tpu.memory_space<vmem>>)
    %dma_wait3A_62 = arith.constant 1 : i32
    %dma_wait3A_63 = arith.constant 0 : i32
    %dma_wait3A_64 = arith.constant 0 : i32
    %dma_wait3A_65 = tpu.memref_slice %arg4[%dma_wait3A_62, %dma_wait3A_63, %dma_wait3A_64] : memref<2x16x512xf32, #tpu.memory_space<vmem>> -> memref<1x16x512xf32, #tpu.memory_space<vmem>>
    %dma_wait3A_66 = tpu.memref_squeeze %dma_wait3A_65 : memref<1x16x512xf32, #tpu.memory_space<vmem>> -> memref<16x512xf32, #tpu.memory_space<vmem>>
    %dma_wait3A_67 = arith.constant 0 : i32
    %dma_wait3A_68 = arith.constant 0 : i32
    %dma_wait3A_69 = tpu.memref_slice %arg2[%add3A_4, %dma_wait3A_67, %dma_wait3A_68] : memref<64x16x512xf32, #tpu.memory_space<hbm>> -> memref<1x16x512xf32, #tpu.memory_space<hbm>>
    %dma_wait3A_70 = tpu.memref_squeeze %dma_wait3A_69 : memref<1x16x512xf32, #tpu.memory_space<hbm>> -> memref<16x512xf32, #tpu.memory_space<hbm>>
    %dma_wait3A_71 = arith.constant 0 : i32
    %dma_wait3A_72 = arith.constant 0 : i32
    %dma_wait3A_73 = tpu.memref_slice %arg4[%dma_wait3A_62, %dma_wait3A_71, %dma_wait3A_72] : memref<2x16x512xf32, #tpu.memory_space<vmem>> -> memref<1x16x512xf32, #tpu.memory_space<vmem>>
    %dma_wait3A_74 = tpu.memref_squeeze %dma_wait3A_73 : memref<1x16x512xf32, #tpu.memory_space<vmem>> -> memref<16x512xf32, #tpu.memory_space<vmem>>
    %dma_wait3A_75 = arith.constant 0 : i32
    %dma_wait3A_76 = arith.constant 0 : i32
    %dma_wait3A_77 = tpu.memref_slice %arg2[%add3A_4, %dma_wait3A_75, %dma_wait3A_76] : memref<64x16x512xf32, #tpu.memory_space<hbm>> -> memref<1x16x512xf32, #tpu.memory_space<hbm>>
    %dma_wait3A_78 = tpu.memref_squeeze %dma_wait3A_77 : memref<1x16x512xf32, #tpu.memory_space<hbm>> -> memref<16x512xf32, #tpu.memory_space<hbm>>
    tpu.wait_dma2 semaphore(%arg7 : memref<!tpu.dma_semaphore, #tpu.memory_space<semaphore_mem>>) src(%dma_wait3A_78 : memref<16x512xf32, #tpu.memory_space<hbm>>) dst(%dma_wait3A_74 : memref<16x512xf32, #tpu.memory_space<vmem>>)
    %scan3A_79 = arith.constant 0 : i32
    %scan3A_80 = arith.constant 0 : i32
    %scan3A_81 = arith.constant 16 : i32
    %scan3A_82 = arith.addi %scan3A_80, %scan3A_81 : i32
    %scan3A_83 = arith.constant 1 : i32
    scf.for %scan3A_87 = %scan3A_80 to %scan3A_82 step %scan3A_83  : i32 {
      %mul3A_88 = arith.constant 2 : i32
      %mul3A_89 = arith.muli %scan3A_87, %mul3A_88 : i32
      %add3A_90 = arith.constant 0 : i32
      %add3A_91 = arith.addi %mul3A_89, %add3A_90 : i32
      %mul3A_92 = arith.constant 16 : i32
      %mul3A_93 = arith.muli %add3A_91, %mul3A_92 : i32
      %add3A_94 = vector.broadcast %mul3A_93 : i32 to vector<16xi32>
      %add3A_95 = arith.addi %add3A_94, %iota3A : vector<16xi32>
      %mul3A_96 = arith.constant 16 : i32
      %mul3A_97 = arith.muli %add3A_91, %mul3A_96 : i32
      %get3A = arith.constant 0 : i32
      %get3A_98 = arith.constant 0 : i32
      %get3A_99 = arith.index_cast %get3A : i32 to index
      %get3A_100 = arith.index_cast %get3A_98 : i32 to index
      %get3A_101 = arith.index_cast %mul3A_97 : i32 to index
      %get3A_102 = tpu.vector_load %arg4[%get3A_99, %get3A_100, %get3A_101] {strides = array<i32>} : memref<2x16x512xf32, #tpu.memory_space<vmem>>, vector<16xf32>,
      %broadcast_in_dim3A_103 = arith.constant 0 : i32
      %broadcast_in_dim3A_104 = vector.broadcast %broadcast_in_dim3A_103 : i32 to vector<16xi32>
      %mul3A_105 = arith.constant 16 : i32
      %mul3A_106 = arith.muli %add3A_91, %mul3A_105 : i32
      %get3A_107 = arith.constant 0 : i32
      %get3A_108 = arith.constant 1 : i32
      %get3A_109 = arith.index_cast %get3A_107 : i32 to index
      %get3A_110 = arith.index_cast %get3A_108 : i32 to index
      %get3A_111 = arith.index_cast %mul3A_106 : i32 to index
      %get3A_112 = tpu.vector_load %arg4[%get3A_109, %get3A_110, %get3A_111] {strides = array<i32>} : memref<2x16x512xf32, #tpu.memory_space<vmem>>, vector<16xf32>,
      %gt3A = arith.cmpf ogt, %get3A_112, %get3A_102 : vector<16xf32>
      %select_n3A = arith.select %gt3A, %get3A_112, %get3A_102 : vector<16xi1>, vector<16xf32>
      %broadcast_in_dim3A_113 = arith.constant 1 : i32
      %broadcast_in_dim3A_114 = vector.broadcast %broadcast_in_dim3A_113 : i32 to vector<16xi32>
      %select_n3A_115 = arith.select %gt3A, %broadcast_in_dim3A_114, %broadcast_in_dim3A_104 : vector<16xi1>, vector<16xi32>
      %mul3A_116 = arith.constant 16 : i32
      %mul3A_117 = arith.muli %add3A_91, %mul3A_116 : i32
      %get3A_118 = arith.constant 0 : i32
      %get3A_119 = arith.constant 2 : i32
      %get3A_120 = arith.index_cast %get3A_118 : i32 to index
      %get3A_121 = arith.index_cast %get3A_119 : i32 to index
      %get3A_122 = arith.index_cast %mul3A_117 : i32 to index
      %get3A_123 = tpu.vector_load %arg4[%get3A_120, %get3A_121, %get3A_122] {strides = array<i32>} : memref<2x16x512xf32, #tpu.memory_space<vmem>>, vector<16xf32>,
      %gt3A_124 = arith.cmpf ogt, %get3A_123, %select_n3A : vector<16xf32>
      %select_n3A_125 = arith.select %gt3A_124, %get3A_123, %select_n3A : vector<16xi1>, vector<16xf32>
      %broadcast_in_dim3A_126 = arith.constant 2 : i32
      %broadcast_in_dim3A_127 = vector.broadcast %broadcast_in_dim3A_126 : i32 to vector<16xi32>
      %select_n3A_128 = arith.select %gt3A_124, %broadcast_in_dim3A_127, %select_n3A_115 : vector<16xi1>, vector<16xi32>
      %mul3A_129 = arith.constant 16 : i32
      %mul3A_130 = arith.muli %add3A_91, %mul3A_129 : i32
      %get3A_131 = arith.constant 0 : i32
      %get3A_132 = arith.constant 3 : i32
      %get3A_133 = arith.index_cast %get3A_131 : i32 to index
      %get3A_134 = arith.index_cast %get3A_132 : i32 to index
      %get3A_135 = arith.index_cast %mul3A_130 : i32 to index
      %get3A_136 = tpu.vector_load %arg4[%get3A_133, %get3A_134, %get3A_135] {strides = array<i32>} : memref<2x16x512xf32, #tpu.memory_space<vmem>>, vector<16xf32>,
      %gt3A_137 = arith.cmpf ogt, %get3A_136, %select_n3A_125 : vector<16xf32>
      %select_n3A_138 = arith.select %gt3A_137, %get3A_136, %select_n3A_125 : vector<16xi1>, vector<16xf32>
      %broadcast_in_dim3A_139 = arith.constant 3 : i32
      %broadcast_in_dim3A_140 = vector.broadcast %broadcast_in_dim3A_139 : i32 to vector<16xi32>
      %select_n3A_141 = arith.select %gt3A_137, %broadcast_in_dim3A_140, %select_n3A_128 : vector<16xi1>, vector<16xi32>
      %mul3A_142 = arith.constant 16 : i32
      %mul3A_143 = arith.muli %add3A_91, %mul3A_142 : i32
      %get3A_144 = arith.constant 0 : i32
      %get3A_145 = arith.constant 4 : i32
      %get3A_146 = arith.index_cast %get3A_144 : i32 to index
      %get3A_147 = arith.index_cast %get3A_145 : i32 to index
      %get3A_148 = arith.index_cast %mul3A_143 : i32 to index
      %get3A_149 = tpu.vector_load %arg4[%get3A_146, %get3A_147, %get3A_148] {strides = array<i32>} : memref<2x16x512xf32, #tpu.memory_space<vmem>>, vector<16xf32>,
      %gt3A_150 = arith.cmpf ogt, %get3A_149, %select_n3A_138 : vector<16xf32>
      %select_n3A_151 = arith.select %gt3A_150, %get3A_149, %select_n3A_138 : vector<16xi1>, vector<16xf32>
      %broadcast_in_dim3A_152 = arith.constant 4 : i32
      %broadcast_in_dim3A_153 = vector.broadcast %broadcast_in_dim3A_152 : i32 to vector<16xi32>
      %select_n3A_154 = arith.select %gt3A_150, %broadcast_in_dim3A_153, %select_n3A_141 : vector<16xi1>, vector<16xi32>
      %mul3A_155 = arith.constant 16 : i32
      %mul3A_156 = arith.muli %add3A_91, %mul3A_155 : i32
      %get3A_157 = arith.constant 0 : i32
      %get3A_158 = arith.constant 5 : i32
      %get3A_159 = arith.index_cast %get3A_157 : i32 to index
      %get3A_160 = arith.index_cast %get3A_158 : i32 to index
      %get3A_161 = arith.index_cast %mul3A_156 : i32 to index
      %get3A_162 = tpu.vector_load %arg4[%get3A_159, %get3A_160, %get3A_161] {strides = array<i32>} : memref<2x16x512xf32, #tpu.memory_space<vmem>>, vector<16xf32>,
      %gt3A_163 = arith.cmpf ogt, %get3A_162, %select_n3A_151 : vector<16xf32>
      %select_n3A_164 = arith.select %gt3A_163, %get3A_162, %select_n3A_151 : vector<16xi1>, vector<16xf32>
      %broadcast_in_dim3A_165 = arith.constant 5 : i32
      %broadcast_in_dim3A_166 = vector.broadcast %broadcast_in_dim3A_165 : i32 to vector<16xi32>
      %select_n3A_167 = arith.select %gt3A_163, %broadcast_in_dim3A_166, %select_n3A_154 : vector<16xi1>, vector<16xi32>
      %mul3A_168 = arith.constant 16 : i32
      %mul3A_169 = arith.muli %add3A_91, %mul3A_168 : i32
      %get3A_170 = arith.constant 0 : i32
      %get3A_171 = arith.constant 6 : i32
      %get3A_172 = arith.index_cast %get3A_170 : i32 to index
      %get3A_173 = arith.index_cast %get3A_171 : i32 to index
      %get3A_174 = arith.index_cast %mul3A_169 : i32 to index
      %get3A_175 = tpu.vector_load %arg4[%get3A_172, %get3A_173, %get3A_174] {strides = array<i32>} : memref<2x16x512xf32, #tpu.memory_space<vmem>>, vector<16xf32>,
      %gt3A_176 = arith.cmpf ogt, %get3A_175, %select_n3A_164 : vector<16xf32>
      %select_n3A_177 = arith.select %gt3A_176, %get3A_175, %select_n3A_164 : vector<16xi1>, vector<16xf32>
      %broadcast_in_dim3A_178 = arith.constant 6 : i32
      %broadcast_in_dim3A_179 = vector.broadcast %broadcast_in_dim3A_178 : i32 to vector<16xi32>
      %select_n3A_180 = arith.select %gt3A_176, %broadcast_in_dim3A_179, %select_n3A_167 : vector<16xi1>, vector<16xi32>
      %mul3A_181 = arith.constant 16 : i32
      %mul3A_182 = arith.muli %add3A_91, %mul3A_181 : i32
      %get3A_183 = arith.constant 0 : i32
      %get3A_184 = arith.constant 7 : i32
      %get3A_185 = arith.index_cast %get3A_183 : i32 to index
      %get3A_186 = arith.index_cast %get3A_184 : i32 to index
      %get3A_187 = arith.index_cast %mul3A_182 : i32 to index
      %get3A_188 = tpu.vector_load %arg4[%get3A_185, %get3A_186, %get3A_187] {strides = array<i32>} : memref<2x16x512xf32, #tpu.memory_space<vmem>>, vector<16xf32>,
      %gt3A_189 = arith.cmpf ogt, %get3A_188, %select_n3A_177 : vector<16xf32>
      %select_n3A_190 = arith.select %gt3A_189, %get3A_188, %select_n3A_177 : vector<16xi1>, vector<16xf32>
      %broadcast_in_dim3A_191 = arith.constant 7 : i32
      %broadcast_in_dim3A_192 = vector.broadcast %broadcast_in_dim3A_191 : i32 to vector<16xi32>
      %select_n3A_193 = arith.select %gt3A_189, %broadcast_in_dim3A_192, %select_n3A_180 : vector<16xi1>, vector<16xi32>
      %mul3A_194 = arith.constant 16 : i32
      %mul3A_195 = arith.muli %add3A_91, %mul3A_194 : i32
      %get3A_196 = arith.constant 0 : i32
      %get3A_197 = arith.constant 8 : i32
      %get3A_198 = arith.index_cast %get3A_196 : i32 to index
      %get3A_199 = arith.index_cast %get3A_197 : i32 to index
      %get3A_200 = arith.index_cast %mul3A_195 : i32 to index
      %get3A_201 = tpu.vector_load %arg4[%get3A_198, %get3A_199, %get3A_200] {strides = array<i32>} : memref<2x16x512xf32, #tpu.memory_space<vmem>>, vector<16xf32>,
      %broadcast_in_dim3A_202 = arith.constant 8 : i32
      %broadcast_in_dim3A_203 = vector.broadcast %broadcast_in_dim3A_202 : i32 to vector<16xi32>
      %mul3A_204 = arith.constant 16 : i32
      %mul3A_205 = arith.muli %add3A_91, %mul3A_204 : i32
      %get3A_206 = arith.constant 0 : i32
      %get3A_207 = arith.constant 9 : i32
      %get3A_208 = arith.index_cast %get3A_206 : i32 to index
      %get3A_209 = arith.index_cast %get3A_207 : i32 to index
      %get3A_210 = arith.index_cast %mul3A_205 : i32 to index
      %get3A_211 = tpu.vector_load %arg4[%get3A_208, %get3A_209, %get3A_210] {strides = array<i32>} : memref<2x16x512xf32, #tpu.memory_space<vmem>>, vector<16xf32>,
      %gt3A_212 = arith.cmpf ogt, %get3A_211, %get3A_201 : vector<16xf32>
      %select_n3A_213 = arith.select %gt3A_212, %get3A_211, %get3A_201 : vector<16xi1>, vector<16xf32>
      %broadcast_in_dim3A_214 = arith.constant 9 : i32
      %broadcast_in_dim3A_215 = vector.broadcast %broadcast_in_dim3A_214 : i32 to vector<16xi32>
      %select_n3A_216 = arith.select %gt3A_212, %broadcast_in_dim3A_215, %broadcast_in_dim3A_203 : vector<16xi1>, vector<16xi32>
      %mul3A_217 = arith.constant 16 : i32
      %mul3A_218 = arith.muli %add3A_91, %mul3A_217 : i32
      %get3A_219 = arith.constant 0 : i32
      %get3A_220 = arith.constant 10 : i32
      %get3A_221 = arith.index_cast %get3A_219 : i32 to index
      %get3A_222 = arith.index_cast %get3A_220 : i32 to index
      %get3A_223 = arith.index_cast %mul3A_218 : i32 to index
      %get3A_224 = tpu.vector_load %arg4[%get3A_221, %get3A_222, %get3A_223] {strides = array<i32>} : memref<2x16x512xf32, #tpu.memory_space<vmem>>, vector<16xf32>,
      %gt3A_225 = arith.cmpf ogt, %get3A_224, %select_n3A_213 : vector<16xf32>
      %select_n3A_226 = arith.select %gt3A_225, %get3A_224, %select_n3A_213 : vector<16xi1>, vector<16xf32>
      %broadcast_in_dim3A_227 = arith.constant 10 : i32
      %broadcast_in_dim3A_228 = vector.broadcast %broadcast_in_dim3A_227 : i32 to vector<16xi32>
      %select_n3A_229 = arith.select %gt3A_225, %broadcast_in_dim3A_228, %select_n3A_216 : vector<16xi1>, vector<16xi32>
      %mul3A_230 = arith.constant 16 : i32
      %mul3A_231 = arith.muli %add3A_91, %mul3A_230 : i32
      %get3A_232 = arith.constant 0 : i32
      %get3A_233 = arith.constant 11 : i32
      %get3A_234 = arith.index_cast %get3A_232 : i32 to index
      %get3A_235 = arith.index_cast %get3A_233 : i32 to index
      %get3A_236 = arith.index_cast %mul3A_231 : i32 to index
      %get3A_237 = tpu.vector_load %arg4[%get3A_234, %get3A_235, %get3A_236] {strides = array<i32>} : memref<2x16x512xf32, #tpu.memory_space<vmem>>, vector<16xf32>,
      %gt3A_238 = arith.cmpf ogt, %get3A_237, %select_n3A_226 : vector<16xf32>
      %select_n3A_239 = arith.select %gt3A_238, %get3A_237, %select_n3A_226 : vector<16xi1>, vector<16xf32>
      %broadcast_in_dim3A_240 = arith.constant 11 : i32
      %broadcast_in_dim3A_241 = vector.broadcast %broadcast_in_dim3A_240 : i32 to vector<16xi32>
      %select_n3A_242 = arith.select %gt3A_238, %broadcast_in_dim3A_241, %select_n3A_229 : vector<16xi1>, vector<16xi32>
      %mul3A_243 = arith.constant 16 : i32
      %mul3A_244 = arith.muli %add3A_91, %mul3A_243 : i32
      %get3A_245 = arith.constant 0 : i32
      %get3A_246 = arith.constant 12 : i32
      %get3A_247 = arith.index_cast %get3A_245 : i32 to index
      %get3A_248 = arith.index_cast %get3A_246 : i32 to index
      %get3A_249 = arith.index_cast %mul3A_244 : i32 to index
      %get3A_250 = tpu.vector_load %arg4[%get3A_247, %get3A_248, %get3A_249] {strides = array<i32>} : memref<2x16x512xf32, #tpu.memory_space<vmem>>, vector<16xf32>,
      %gt3A_251 = arith.cmpf ogt, %get3A_250, %select_n3A_239 : vector<16xf32>
      %select_n3A_252 = arith.select %gt3A_251, %get3A_250, %select_n3A_239 : vector<16xi1>, vector<16xf32>
      %broadcast_in_dim3A_253 = arith.constant 12 : i32
      %broadcast_in_dim3A_254 = vector.broadcast %broadcast_in_dim3A_253 : i32 to vector<16xi32>
      %select_n3A_255 = arith.select %gt3A_251, %broadcast_in_dim3A_254, %select_n3A_242 : vector<16xi1>, vector<16xi32>
      %mul3A_256 = arith.constant 16 : i32
      %mul3A_257 = arith.muli %add3A_91, %mul3A_256 : i32
      %get3A_258 = arith.constant 0 : i32
      %get3A_259 = arith.constant 13 : i32
      %get3A_260 = arith.index_cast %get3A_258 : i32 to index
      %get3A_261 = arith.index_cast %get3A_259 : i32 to index
      %get3A_262 = arith.index_cast %mul3A_257 : i32 to index
      %get3A_263 = tpu.vector_load %arg4[%get3A_260, %get3A_261, %get3A_262] {strides = array<i32>} : memref<2x16x512xf32, #tpu.memory_space<vmem>>, vector<16xf32>,
      %gt3A_264 = arith.cmpf ogt, %get3A_263, %select_n3A_252 : vector<16xf32>
      %select_n3A_265 = arith.select %gt3A_264, %get3A_263, %select_n3A_252 : vector<16xi1>, vector<16xf32>
      %broadcast_in_dim3A_266 = arith.constant 13 : i32
      %broadcast_in_dim3A_267 = vector.broadcast %broadcast_in_dim3A_266 : i32 to vector<16xi32>
      %select_n3A_268 = arith.select %gt3A_264, %broadcast_in_dim3A_267, %select_n3A_255 : vector<16xi1>, vector<16xi32>
      %mul3A_269 = arith.constant 16 : i32
      %mul3A_270 = arith.muli %add3A_91, %mul3A_269 : i32
      %get3A_271 = arith.constant 0 : i32
      %get3A_272 = arith.constant 14 : i32
      %get3A_273 = arith.index_cast %get3A_271 : i32 to index
      %get3A_274 = arith.index_cast %get3A_272 : i32 to index
      %get3A_275 = arith.index_cast %mul3A_270 : i32 to index
      %get3A_276 = tpu.vector_load %arg4[%get3A_273, %get3A_274, %get3A_275] {strides = array<i32>} : memref<2x16x512xf32, #tpu.memory_space<vmem>>, vector<16xf32>,
      %gt3A_277 = arith.cmpf ogt, %get3A_276, %select_n3A_265 : vector<16xf32>
      %select_n3A_278 = arith.select %gt3A_277, %get3A_276, %select_n3A_265 : vector<16xi1>, vector<16xf32>
      %broadcast_in_dim3A_279 = arith.constant 14 : i32
      %broadcast_in_dim3A_280 = vector.broadcast %broadcast_in_dim3A_279 : i32 to vector<16xi32>
      %select_n3A_281 = arith.select %gt3A_277, %broadcast_in_dim3A_280, %select_n3A_268 : vector<16xi1>, vector<16xi32>
      %mul3A_282 = arith.constant 16 : i32
      %mul3A_283 = arith.muli %add3A_91, %mul3A_282 : i32
      %get3A_284 = arith.constant 0 : i32
      %get3A_285 = arith.constant 15 : i32
      %get3A_286 = arith.index_cast %get3A_284 : i32 to index
      %get3A_287 = arith.index_cast %get3A_285 : i32 to index
      %get3A_288 = arith.index_cast %mul3A_283 : i32 to index
      %get3A_289 = tpu.vector_load %arg4[%get3A_286, %get3A_287, %get3A_288] {strides = array<i32>} : memref<2x16x512xf32, #tpu.memory_space<vmem>>, vector<16xf32>,
      %gt3A_290 = arith.cmpf ogt, %get3A_289, %select_n3A_278 : vector<16xf32>
      %select_n3A_291 = arith.select %gt3A_290, %get3A_289, %select_n3A_278 : vector<16xi1>, vector<16xf32>
      %broadcast_in_dim3A_292 = arith.constant 15 : i32
      %broadcast_in_dim3A_293 = vector.broadcast %broadcast_in_dim3A_292 : i32 to vector<16xi32>
      %select_n3A_294 = arith.select %gt3A_290, %broadcast_in_dim3A_293, %select_n3A_281 : vector<16xi1>, vector<16xi32>
      %gt3A_295 = arith.cmpf ogt, %select_n3A_291, %select_n3A_190 : vector<16xf32>
      %select_n3A_296 = arith.select %gt3A_295, %select_n3A_294, %select_n3A_193 : vector<16xi1>, vector<16xi32>
      tpu.vector_store_idx %arg5[%select_n3A_296, %add3A_95], %broadcast_in_dim3A_40 {add = true} : memref<16x512xf32, #tpu.memory_space<vmem>>[vector<16xi32>, vector<16xi32>], vector<16xf32>,
      %mul3A_297 = arith.constant 16 : i32
      %mul3A_298 = arith.muli %add3A_91, %mul3A_297 : i32
      %get3A_299 = arith.constant 1 : i32
      %get3A_300 = arith.constant 0 : i32
      %get3A_301 = arith.index_cast %get3A_299 : i32 to index
      %get3A_302 = arith.index_cast %get3A_300 : i32 to index
      %get3A_303 = arith.index_cast %mul3A_298 : i32 to index
      %get3A_304 = tpu.vector_load %arg4[%get3A_301, %get3A_302, %get3A_303] {strides = array<i32>} : memref<2x16x512xf32, #tpu.memory_space<vmem>>, vector<16xf32>,
      %broadcast_in_dim3A_305 = arith.constant 0 : i32
      %broadcast_in_dim3A_306 = vector.broadcast %broadcast_in_dim3A_305 : i32 to vector<16xi32>
      %mul3A_307 = arith.constant 16 : i32
      %mul3A_308 = arith.muli %add3A_91, %mul3A_307 : i32
      %get3A_309 = arith.constant 1 : i32
      %get3A_310 = arith.constant 1 : i32
      %get3A_311 = arith.index_cast %get3A_309 : i32 to index
      %get3A_312 = arith.index_cast %get3A_310 : i32 to index
      %get3A_313 = arith.index_cast %mul3A_308 : i32 to index
      %get3A_314 = tpu.vector_load %arg4[%get3A_311, %get3A_312, %get3A_313] {strides = array<i32>} : memref<2x16x512xf32, #tpu.memory_space<vmem>>, vector<16xf32>,
      %gt3A_315 = arith.cmpf ogt, %get3A_314, %get3A_304 : vector<16xf32>
      %select_n3A_316 = arith.select %gt3A_315, %get3A_314, %get3A_304 : vector<16xi1>, vector<16xf32>
      %broadcast_in_dim3A_317 = arith.constant 1 : i32
      %broadcast_in_dim3A_318 = vector.broadcast %broadcast_in_dim3A_317 : i32 to vector<16xi32>
      %select_n3A_319 = arith.select %gt3A_315, %broadcast_in_dim3A_318, %broadcast_in_dim3A_306 : vector<16xi1>, vector<16xi32>
      %mul3A_320 = arith.constant 16 : i32
      %mul3A_321 = arith.muli %add3A_91, %mul3A_320 : i32
      %get3A_322 = arith.constant 1 : i32
      %get3A_323 = arith.constant 2 : i32
      %get3A_324 = arith.index_cast %get3A_322 : i32 to index
      %get3A_325 = arith.index_cast %get3A_323 : i32 to index
      %get3A_326 = arith.index_cast %mul3A_321 : i32 to index
      %get3A_327 = tpu.vector_load %arg4[%get3A_324, %get3A_325, %get3A_326] {strides = array<i32>} : memref<2x16x512xf32, #tpu.memory_space<vmem>>, vector<16xf32>,
      %gt3A_328 = arith.cmpf ogt, %get3A_327, %select_n3A_316 : vector<16xf32>
      %select_n3A_329 = arith.select %gt3A_328, %get3A_327, %select_n3A_316 : vector<16xi1>, vector<16xf32>
      %broadcast_in_dim3A_330 = arith.constant 2 : i32
      %broadcast_in_dim3A_331 = vector.broadcast %broadcast_in_dim3A_330 : i32 to vector<16xi32>
      %select_n3A_332 = arith.select %gt3A_328, %broadcast_in_dim3A_331, %select_n3A_319 : vector<16xi1>, vector<16xi32>
      %mul3A_333 = arith.constant 16 : i32
      %mul3A_334 = arith.muli %add3A_91, %mul3A_333 : i32
      %get3A_335 = arith.constant 1 : i32
      %get3A_336 = arith.constant 3 : i32
      %get3A_337 = arith.index_cast %get3A_335 : i32 to index
      %get3A_338 = arith.index_cast %get3A_336 : i32 to index
      %get3A_339 = arith.index_cast %mul3A_334 : i32 to index
      %get3A_340 = tpu.vector_load %arg4[%get3A_337, %get3A_338, %get3A_339] {strides = array<i32>} : memref<2x16x512xf32, #tpu.memory_space<vmem>>, vector<16xf32>,
      %gt3A_341 = arith.cmpf ogt, %get3A_340, %select_n3A_329 : vector<16xf32>
      %select_n3A_342 = arith.select %gt3A_341, %get3A_340, %select_n3A_329 : vector<16xi1>, vector<16xf32>
      %broadcast_in_dim3A_343 = arith.constant 3 : i32
      %broadcast_in_dim3A_344 = vector.broadcast %broadcast_in_dim3A_343 : i32 to vector<16xi32>
      %select_n3A_345 = arith.select %gt3A_341, %broadcast_in_dim3A_344, %select_n3A_332 : vector<16xi1>, vector<16xi32>
      %mul3A_346 = arith.constant 16 : i32
      %mul3A_347 = arith.muli %add3A_91, %mul3A_346 : i32
      %get3A_348 = arith.constant 1 : i32
      %get3A_349 = arith.constant 4 : i32
      %get3A_350 = arith.index_cast %get3A_348 : i32 to index
      %get3A_351 = arith.index_cast %get3A_349 : i32 to index
      %get3A_352 = arith.index_cast %mul3A_347 : i32 to index
      %get3A_353 = tpu.vector_load %arg4[%get3A_350, %get3A_351, %get3A_352] {strides = array<i32>} : memref<2x16x512xf32, #tpu.memory_space<vmem>>, vector<16xf32>,
      %gt3A_354 = arith.cmpf ogt, %get3A_353, %select_n3A_342 : vector<16xf32>
      %select_n3A_355 = arith.select %gt3A_354, %get3A_353, %select_n3A_342 : vector<16xi1>, vector<16xf32>
      %broadcast_in_dim3A_356 = arith.constant 4 : i32
      %broadcast_in_dim3A_357 = vector.broadcast %broadcast_in_dim3A_356 : i32 to vector<16xi32>
      %select_n3A_358 = arith.select %gt3A_354, %broadcast_in_dim3A_357, %select_n3A_345 : vector<16xi1>, vector<16xi32>
      %mul3A_359 = arith.constant 16 : i32
      %mul3A_360 = arith.muli %add3A_91, %mul3A_359 : i32
      %get3A_361 = arith.constant 1 : i32
      %get3A_362 = arith.constant 5 : i32
      %get3A_363 = arith.index_cast %get3A_361 : i32 to index
      %get3A_364 = arith.index_cast %get3A_362 : i32 to index
      %get3A_365 = arith.index_cast %mul3A_360 : i32 to index
      %get3A_366 = tpu.vector_load %arg4[%get3A_363, %get3A_364, %get3A_365] {strides = array<i32>} : memref<2x16x512xf32, #tpu.memory_space<vmem>>, vector<16xf32>,
      %gt3A_367 = arith.cmpf ogt, %get3A_366, %select_n3A_355 : vector<16xf32>
      %select_n3A_368 = arith.select %gt3A_367, %get3A_366, %select_n3A_355 : vector<16xi1>, vector<16xf32>
      %broadcast_in_dim3A_369 = arith.constant 5 : i32
      %broadcast_in_dim3A_370 = vector.broadcast %broadcast_in_dim3A_369 : i32 to vector<16xi32>
      %select_n3A_371 = arith.select %gt3A_367, %broadcast_in_dim3A_370, %select_n3A_358 : vector<16xi1>, vector<16xi32>
      %mul3A_372 = arith.constant 16 : i32
      %mul3A_373 = arith.muli %add3A_91, %mul3A_372 : i32
      %get3A_374 = arith.constant 1 : i32
      %get3A_375 = arith.constant 6 : i32
      %get3A_376 = arith.index_cast %get3A_374 : i32 to index
      %get3A_377 = arith.index_cast %get3A_375 : i32 to index
      %get3A_378 = arith.index_cast %mul3A_373 : i32 to index
      %get3A_379 = tpu.vector_load %arg4[%get3A_376, %get3A_377, %get3A_378] {strides = array<i32>} : memref<2x16x512xf32, #tpu.memory_space<vmem>>, vector<16xf32>,
      %gt3A_380 = arith.cmpf ogt, %get3A_379, %select_n3A_368 : vector<16xf32>
      %select_n3A_381 = arith.select %gt3A_380, %get3A_379, %select_n3A_368 : vector<16xi1>, vector<16xf32>
      %broadcast_in_dim3A_382 = arith.constant 6 : i32
      %broadcast_in_dim3A_383 = vector.broadcast %broadcast_in_dim3A_382 : i32 to vector<16xi32>
      %select_n3A_384 = arith.select %gt3A_380, %broadcast_in_dim3A_383, %select_n3A_371 : vector<16xi1>, vector<16xi32>
      %mul3A_385 = arith.constant 16 : i32
      %mul3A_386 = arith.muli %add3A_91, %mul3A_385 : i32
      %get3A_387 = arith.constant 1 : i32
      %get3A_388 = arith.constant 7 : i32
      %get3A_389 = arith.index_cast %get3A_387 : i32 to index
      %get3A_390 = arith.index_cast %get3A_388 : i32 to index
      %get3A_391 = arith.index_cast %mul3A_386 : i32 to index
      %get3A_392 = tpu.vector_load %arg4[%get3A_389, %get3A_390, %get3A_391] {strides = array<i32>} : memref<2x16x512xf32, #tpu.memory_space<vmem>>, vector<16xf32>,
      %gt3A_393 = arith.cmpf ogt, %get3A_392, %select_n3A_381 : vector<16xf32>
      %select_n3A_394 = arith.select %gt3A_393, %get3A_392, %select_n3A_381 : vector<16xi1>, vector<16xf32>
      %broadcast_in_dim3A_395 = arith.constant 7 : i32
      %broadcast_in_dim3A_396 = vector.broadcast %broadcast_in_dim3A_395 : i32 to vector<16xi32>
      %select_n3A_397 = arith.select %gt3A_393, %broadcast_in_dim3A_396, %select_n3A_384 : vector<16xi1>, vector<16xi32>
      %mul3A_398 = arith.constant 16 : i32
      %mul3A_399 = arith.muli %add3A_91, %mul3A_398 : i32
      %get3A_400 = arith.constant 1 : i32
      %get3A_401 = arith.constant 8 : i32
      %get3A_402 = arith.index_cast %get3A_400 : i32 to index
      %get3A_403 = arith.index_cast %get3A_401 : i32 to index
      %get3A_404 = arith.index_cast %mul3A_399 : i32 to index
      %get3A_405 = tpu.vector_load %arg4[%get3A_402, %get3A_403, %get3A_404] {strides = array<i32>} : memref<2x16x512xf32, #tpu.memory_space<vmem>>, vector<16xf32>,
      %broadcast_in_dim3A_406 = arith.constant 8 : i32
      %broadcast_in_dim3A_407 = vector.broadcast %broadcast_in_dim3A_406 : i32 to vector<16xi32>
      %mul3A_408 = arith.constant 16 : i32
      %mul3A_409 = arith.muli %add3A_91, %mul3A_408 : i32
      %get3A_410 = arith.constant 1 : i32
      %get3A_411 = arith.constant 9 : i32
      %get3A_412 = arith.index_cast %get3A_410 : i32 to index
      %get3A_413 = arith.index_cast %get3A_411 : i32 to index
      %get3A_414 = arith.index_cast %mul3A_409 : i32 to index
      %get3A_415 = tpu.vector_load %arg4[%get3A_412, %get3A_413, %get3A_414] {strides = array<i32>} : memref<2x16x512xf32, #tpu.memory_space<vmem>>, vector<16xf32>,
      %gt3A_416 = arith.cmpf ogt, %get3A_415, %get3A_405 : vector<16xf32>
      %select_n3A_417 = arith.select %gt3A_416, %get3A_415, %get3A_405 : vector<16xi1>, vector<16xf32>
      %broadcast_in_dim3A_418 = arith.constant 9 : i32
      %broadcast_in_dim3A_419 = vector.broadcast %broadcast_in_dim3A_418 : i32 to vector<16xi32>
      %select_n3A_420 = arith.select %gt3A_416, %broadcast_in_dim3A_419, %broadcast_in_dim3A_407 : vector<16xi1>, vector<16xi32>
      %mul3A_421 = arith.constant 16 : i32
      %mul3A_422 = arith.muli %add3A_91, %mul3A_421 : i32
      %get3A_423 = arith.constant 1 : i32
      %get3A_424 = arith.constant 10 : i32
      %get3A_425 = arith.index_cast %get3A_423 : i32 to index
      %get3A_426 = arith.index_cast %get3A_424 : i32 to index
      %get3A_427 = arith.index_cast %mul3A_422 : i32 to index
      %get3A_428 = tpu.vector_load %arg4[%get3A_425, %get3A_426, %get3A_427] {strides = array<i32>} : memref<2x16x512xf32, #tpu.memory_space<vmem>>, vector<16xf32>,
      %gt3A_429 = arith.cmpf ogt, %get3A_428, %select_n3A_417 : vector<16xf32>
      %select_n3A_430 = arith.select %gt3A_429, %get3A_428, %select_n3A_417 : vector<16xi1>, vector<16xf32>
      %broadcast_in_dim3A_431 = arith.constant 10 : i32
      %broadcast_in_dim3A_432 = vector.broadcast %broadcast_in_dim3A_431 : i32 to vector<16xi32>
      %select_n3A_433 = arith.select %gt3A_429, %broadcast_in_dim3A_432, %select_n3A_420 : vector<16xi1>, vector<16xi32>
      %mul3A_434 = arith.constant 16 : i32
      %mul3A_435 = arith.muli %add3A_91, %mul3A_434 : i32
      %get3A_436 = arith.constant 1 : i32
      %get3A_437 = arith.constant 11 : i32
      %get3A_438 = arith.index_cast %get3A_436 : i32 to index
      %get3A_439 = arith.index_cast %get3A_437 : i32 to index
      %get3A_440 = arith.index_cast %mul3A_435 : i32 to index
      %get3A_441 = tpu.vector_load %arg4[%get3A_438, %get3A_439, %get3A_440] {strides = array<i32>} : memref<2x16x512xf32, #tpu.memory_space<vmem>>, vector<16xf32>,
      %gt3A_442 = arith.cmpf ogt, %get3A_441, %select_n3A_430 : vector<16xf32>
      %select_n3A_443 = arith.select %gt3A_442, %get3A_441, %select_n3A_430 : vector<16xi1>, vector<16xf32>
      %broadcast_in_dim3A_444 = arith.constant 11 : i32
      %broadcast_in_dim3A_445 = vector.broadcast %broadcast_in_dim3A_444 : i32 to vector<16xi32>
      %select_n3A_446 = arith.select %gt3A_442, %broadcast_in_dim3A_445, %select_n3A_433 : vector<16xi1>, vector<16xi32>
      %mul3A_447 = arith.constant 16 : i32
      %mul3A_448 = arith.muli %add3A_91, %mul3A_447 : i32
      %get3A_449 = arith.constant 1 : i32
      %get3A_450 = arith.constant 12 : i32
      %get3A_451 = arith.index_cast %get3A_449 : i32 to index
      %get3A_452 = arith.index_cast %get3A_450 : i32 to index
      %get3A_453 = arith.index_cast %mul3A_448 : i32 to index
      %get3A_454 = tpu.vector_load %arg4[%get3A_451, %get3A_452, %get3A_453] {strides = array<i32>} : memref<2x16x512xf32, #tpu.memory_space<vmem>>, vector<16xf32>,
      %gt3A_455 = arith.cmpf ogt, %get3A_454, %select_n3A_443 : vector<16xf32>
      %select_n3A_456 = arith.select %gt3A_455, %get3A_454, %select_n3A_443 : vector<16xi1>, vector<16xf32>
      %broadcast_in_dim3A_457 = arith.constant 12 : i32
      %broadcast_in_dim3A_458 = vector.broadcast %broadcast_in_dim3A_457 : i32 to vector<16xi32>
      %select_n3A_459 = arith.select %gt3A_455, %broadcast_in_dim3A_458, %select_n3A_446 : vector<16xi1>, vector<16xi32>
      %mul3A_460 = arith.constant 16 : i32
      %mul3A_461 = arith.muli %add3A_91, %mul3A_460 : i32
      %get3A_462 = arith.constant 1 : i32
      %get3A_463 = arith.constant 13 : i32
      %get3A_464 = arith.index_cast %get3A_462 : i32 to index
      %get3A_465 = arith.index_cast %get3A_463 : i32 to index
      %get3A_466 = arith.index_cast %mul3A_461 : i32 to index
      %get3A_467 = tpu.vector_load %arg4[%get3A_464, %get3A_465, %get3A_466] {strides = array<i32>} : memref<2x16x512xf32, #tpu.memory_space<vmem>>, vector<16xf32>,
      %gt3A_468 = arith.cmpf ogt, %get3A_467, %select_n3A_456 : vector<16xf32>
      %select_n3A_469 = arith.select %gt3A_468, %get3A_467, %select_n3A_456 : vector<16xi1>, vector<16xf32>
      %broadcast_in_dim3A_470 = arith.constant 13 : i32
      %broadcast_in_dim3A_471 = vector.broadcast %broadcast_in_dim3A_470 : i32 to vector<16xi32>
      %select_n3A_472 = arith.select %gt3A_468, %broadcast_in_dim3A_471, %select_n3A_459 : vector<16xi1>, vector<16xi32>
      %mul3A_473 = arith.constant 16 : i32
      %mul3A_474 = arith.muli %add3A_91, %mul3A_473 : i32
      %get3A_475 = arith.constant 1 : i32
      %get3A_476 = arith.constant 14 : i32
      %get3A_477 = arith.index_cast %get3A_475 : i32 to index
      %get3A_478 = arith.index_cast %get3A_476 : i32 to index
      %get3A_479 = arith.index_cast %mul3A_474 : i32 to index
      %get3A_480 = tpu.vector_load %arg4[%get3A_477, %get3A_478, %get3A_479] {strides = array<i32>} : memref<2x16x512xf32, #tpu.memory_space<vmem>>, vector<16xf32>,
      %gt3A_481 = arith.cmpf ogt, %get3A_480, %select_n3A_469 : vector<16xf32>
      %select_n3A_482 = arith.select %gt3A_481, %get3A_480, %select_n3A_469 : vector<16xi1>, vector<16xf32>
      %broadcast_in_dim3A_483 = arith.constant 14 : i32
      %broadcast_in_dim3A_484 = vector.broadcast %broadcast_in_dim3A_483 : i32 to vector<16xi32>
      %select_n3A_485 = arith.select %gt3A_481, %broadcast_in_dim3A_484, %select_n3A_472 : vector<16xi1>, vector<16xi32>
      %mul3A_486 = arith.constant 16 : i32
      %mul3A_487 = arith.muli %add3A_91, %mul3A_486 : i32
      %get3A_488 = arith.constant 1 : i32
      %get3A_489 = arith.constant 15 : i32
      %get3A_490 = arith.index_cast %get3A_488 : i32 to index
      %get3A_491 = arith.index_cast %get3A_489 : i32 to index
      %get3A_492 = arith.index_cast %mul3A_487 : i32 to index
      %get3A_493 = tpu.vector_load %arg4[%get3A_490, %get3A_491, %get3A_492] {strides = array<i32>} : memref<2x16x512xf32, #tpu.memory_space<vmem>>, vector<16xf32>,
      %gt3A_494 = arith.cmpf ogt, %get3A_493, %select_n3A_482 : vector<16xf32>
      %select_n3A_495 = arith.select %gt3A_494, %get3A_493, %select_n3A_482 : vector<16xi1>, vector<16xf32>
      %broadcast_in_dim3A_496 = arith.constant 15 : i32
      %broadcast_in_dim3A_497 = vector.broadcast %broadcast_in_dim3A_496 : i32 to vector<16xi32>
      %select_n3A_498 = arith.select %gt3A_494, %broadcast_in_dim3A_497, %select_n3A_485 : vector<16xi1>, vector<16xi32>
      %gt3A_499 = arith.cmpf ogt, %select_n3A_495, %select_n3A_394 : vector<16xf32>
      %select_n3A_500 = arith.select %gt3A_499, %select_n3A_498, %select_n3A_397 : vector<16xi1>, vector<16xi32>
      tpu.vector_store_idx %arg5[%select_n3A_500, %add3A_95], %broadcast_in_dim3A_40 {add = true} : memref<16x512xf32, #tpu.memory_space<vmem>>[vector<16xi32>, vector<16xi32>], vector<16xf32>,
      %mul3A_501 = arith.constant 2 : i32
      %mul3A_502 = arith.muli %scan3A_87, %mul3A_501 : i32
      %add3A_503 = arith.constant 1 : i32
      %add3A_504 = arith.addi %mul3A_502, %add3A_503 : i32
      %mul3A_505 = arith.constant 16 : i32
      %mul3A_506 = arith.muli %add3A_504, %mul3A_505 : i32
      %add3A_507 = vector.broadcast %mul3A_506 : i32 to vector<16xi32>
      %add3A_508 = arith.addi %add3A_507, %iota3A : vector<16xi32>
      %mul3A_509 = arith.constant 16 : i32
      %mul3A_510 = arith.muli %add3A_504, %mul3A_509 : i32
      %get3A_511 = arith.constant 0 : i32
      %get3A_512 = arith.constant 0 : i32
      %get3A_513 = arith.index_cast %get3A_511 : i32 to index
      %get3A_514 = arith.index_cast %get3A_512 : i32 to index
      %get3A_515 = arith.index_cast %mul3A_510 : i32 to index
      %get3A_516 = tpu.vector_load %arg4[%get3A_513, %get3A_514, %get3A_515] {strides = array<i32>} : memref<2x16x512xf32, #tpu.memory_space<vmem>>, vector<16xf32>,
      %broadcast_in_dim3A_517 = arith.constant 0 : i32
      %broadcast_in_dim3A_518 = vector.broadcast %broadcast_in_dim3A_517 : i32 to vector<16xi32>
      %mul3A_519 = arith.constant 16 : i32
      %mul3A_520 = arith.muli %add3A_504, %mul3A_519 : i32
      %get3A_521 = arith.constant 0 : i32
      %get3A_522 = arith.constant 1 : i32
      %get3A_523 = arith.index_cast %get3A_521 : i32 to index
      %get3A_524 = arith.index_cast %get3A_522 : i32 to index
      %get3A_525 = arith.index_cast %mul3A_520 : i32 to index
      %get3A_526 = tpu.vector_load %arg4[%get3A_523, %get3A_524, %get3A_525] {strides = array<i32>} : memref<2x16x512xf32, #tpu.memory_space<vmem>>, vector<16xf32>,
      %gt3A_527 = arith.cmpf ogt, %get3A_526, %get3A_516 : vector<16xf32>
      %select_n3A_528 = arith.select %gt3A_527, %get3A_526, %get3A_516 : vector<16xi1>, vector<16xf32>
      %broadcast_in_dim3A_529 = arith.constant 1 : i32
      %broadcast_in_dim3A_530 = vector.broadcast %broadcast_in_dim3A_529 : i32 to vector<16xi32>
      %select_n3A_531 = arith.select %gt3A_527, %broadcast_in_dim3A_530, %broadcast_in_dim3A_518 : vector<16xi1>, vector<16xi32>
      %mul3A_532 = arith.constant 16 : i32
      %mul3A_533 = arith.muli %add3A_504, %mul3A_532 : i32
      %get3A_534 = arith.constant 0 : i32
      %get3A_535 = arith.constant 2 : i32
      %get3A_536 = arith.index_cast %get3A_534 : i32 to index
      %get3A_537 = arith.index_cast %get3A_535 : i32 to index
      %get3A_538 = arith.index_cast %mul3A_533 : i32 to index
      %get3A_539 = tpu.vector_load %arg4[%get3A_536, %get3A_537, %get3A_538] {strides = array<i32>} : memref<2x16x512xf32, #tpu.memory_space<vmem>>, vector<16xf32>,
      %gt3A_540 = arith.cmpf ogt, %get3A_539, %select_n3A_528 : vector<16xf32>
      %select_n3A_541 = arith.select %gt3A_540, %get3A_539, %select_n3A_528 : vector<16xi1>, vector<16xf32>
      %broadcast_in_dim3A_542 = arith.constant 2 : i32
      %broadcast_in_dim3A_543 = vector.broadcast %broadcast_in_dim3A_542 : i32 to vector<16xi32>
      %select_n3A_544 = arith.select %gt3A_540, %broadcast_in_dim3A_543, %select_n3A_531 : vector<16xi1>, vector<16xi32>
      %mul3A_545 = arith.constant 16 : i32
      %mul3A_546 = arith.muli %add3A_504, %mul3A_545 : i32
      %get3A_547 = arith.constant 0 : i32
      %get3A_548 = arith.constant 3 : i32
      %get3A_549 = arith.index_cast %get3A_547 : i32 to index
      %get3A_550 = arith.index_cast %get3A_548 : i32 to index
      %get3A_551 = arith.index_cast %mul3A_546 : i32 to index
      %get3A_552 = tpu.vector_load %arg4[%get3A_549, %get3A_550, %get3A_551] {strides = array<i32>} : memref<2x16x512xf32, #tpu.memory_space<vmem>>, vector<16xf32>,
      %gt3A_553 = arith.cmpf ogt, %get3A_552, %select_n3A_541 : vector<16xf32>
      %select_n3A_554 = arith.select %gt3A_553, %get3A_552, %select_n3A_541 : vector<16xi1>, vector<16xf32>
      %broadcast_in_dim3A_555 = arith.constant 3 : i32
      %broadcast_in_dim3A_556 = vector.broadcast %broadcast_in_dim3A_555 : i32 to vector<16xi32>
      %select_n3A_557 = arith.select %gt3A_553, %broadcast_in_dim3A_556, %select_n3A_544 : vector<16xi1>, vector<16xi32>
      %mul3A_558 = arith.constant 16 : i32
      %mul3A_559 = arith.muli %add3A_504, %mul3A_558 : i32
      %get3A_560 = arith.constant 0 : i32
      %get3A_561 = arith.constant 4 : i32
      %get3A_562 = arith.index_cast %get3A_560 : i32 to index
      %get3A_563 = arith.index_cast %get3A_561 : i32 to index
      %get3A_564 = arith.index_cast %mul3A_559 : i32 to index
      %get3A_565 = tpu.vector_load %arg4[%get3A_562, %get3A_563, %get3A_564] {strides = array<i32>} : memref<2x16x512xf32, #tpu.memory_space<vmem>>, vector<16xf32>,
      %gt3A_566 = arith.cmpf ogt, %get3A_565, %select_n3A_554 : vector<16xf32>
      %select_n3A_567 = arith.select %gt3A_566, %get3A_565, %select_n3A_554 : vector<16xi1>, vector<16xf32>
      %broadcast_in_dim3A_568 = arith.constant 4 : i32
      %broadcast_in_dim3A_569 = vector.broadcast %broadcast_in_dim3A_568 : i32 to vector<16xi32>
      %select_n3A_570 = arith.select %gt3A_566, %broadcast_in_dim3A_569, %select_n3A_557 : vector<16xi1>, vector<16xi32>
      %mul3A_571 = arith.constant 16 : i32
      %mul3A_572 = arith.muli %add3A_504, %mul3A_571 : i32
      %get3A_573 = arith.constant 0 : i32
      %get3A_574 = arith.constant 5 : i32
      %get3A_575 = arith.index_cast %get3A_573 : i32 to index
      %get3A_576 = arith.index_cast %get3A_574 : i32 to index
      %get3A_577 = arith.index_cast %mul3A_572 : i32 to index
      %get3A_578 = tpu.vector_load %arg4[%get3A_575, %get3A_576, %get3A_577] {strides = array<i32>} : memref<2x16x512xf32, #tpu.memory_space<vmem>>, vector<16xf32>,
      %gt3A_579 = arith.cmpf ogt, %get3A_578, %select_n3A_567 : vector<16xf32>
      %select_n3A_580 = arith.select %gt3A_579, %get3A_578, %select_n3A_567 : vector<16xi1>, vector<16xf32>
      %broadcast_in_dim3A_581 = arith.constant 5 : i32
      %broadcast_in_dim3A_582 = vector.broadcast %broadcast_in_dim3A_581 : i32 to vector<16xi32>
      %select_n3A_583 = arith.select %gt3A_579, %broadcast_in_dim3A_582, %select_n3A_570 : vector<16xi1>, vector<16xi32>
      %mul3A_584 = arith.constant 16 : i32
      %mul3A_585 = arith.muli %add3A_504, %mul3A_584 : i32
      %get3A_586 = arith.constant 0 : i32
      %get3A_587 = arith.constant 6 : i32
      %get3A_588 = arith.index_cast %get3A_586 : i32 to index
      %get3A_589 = arith.index_cast %get3A_587 : i32 to index
      %get3A_590 = arith.index_cast %mul3A_585 : i32 to index
      %get3A_591 = tpu.vector_load %arg4[%get3A_588, %get3A_589, %get3A_590] {strides = array<i32>} : memref<2x16x512xf32, #tpu.memory_space<vmem>>, vector<16xf32>,
      %gt3A_592 = arith.cmpf ogt, %get3A_591, %select_n3A_580 : vector<16xf32>
      %select_n3A_593 = arith.select %gt3A_592, %get3A_591, %select_n3A_580 : vector<16xi1>, vector<16xf32>
      %broadcast_in_dim3A_594 = arith.constant 6 : i32
      %broadcast_in_dim3A_595 = vector.broadcast %broadcast_in_dim3A_594 : i32 to vector<16xi32>
      %select_n3A_596 = arith.select %gt3A_592, %broadcast_in_dim3A_595, %select_n3A_583 : vector<16xi1>, vector<16xi32>
      %mul3A_597 = arith.constant 16 : i32
      %mul3A_598 = arith.muli %add3A_504, %mul3A_597 : i32
      %get3A_599 = arith.constant 0 : i32
      %get3A_600 = arith.constant 7 : i32
      %get3A_601 = arith.index_cast %get3A_599 : i32 to index
      %get3A_602 = arith.index_cast %get3A_600 : i32 to index
      %get3A_603 = arith.index_cast %mul3A_598 : i32 to index
      %get3A_604 = tpu.vector_load %arg4[%get3A_601, %get3A_602, %get3A_603] {strides = array<i32>} : memref<2x16x512xf32, #tpu.memory_space<vmem>>, vector<16xf32>,
      %gt3A_605 = arith.cmpf ogt, %get3A_604, %select_n3A_593 : vector<16xf32>
      %select_n3A_606 = arith.select %gt3A_605, %get3A_604, %select_n3A_593 : vector<16xi1>, vector<16xf32>
      %broadcast_in_dim3A_607 = arith.constant 7 : i32
      %broadcast_in_dim3A_608 = vector.broadcast %broadcast_in_dim3A_607 : i32 to vector<16xi32>
      %select_n3A_609 = arith.select %gt3A_605, %broadcast_in_dim3A_608, %select_n3A_596 : vector<16xi1>, vector<16xi32>
      %mul3A_610 = arith.constant 16 : i32
      %mul3A_611 = arith.muli %add3A_504, %mul3A_610 : i32
      %get3A_612 = arith.constant 0 : i32
      %get3A_613 = arith.constant 8 : i32
      %get3A_614 = arith.index_cast %get3A_612 : i32 to index
      %get3A_615 = arith.index_cast %get3A_613 : i32 to index
      %get3A_616 = arith.index_cast %mul3A_611 : i32 to index
      %get3A_617 = tpu.vector_load %arg4[%get3A_614, %get3A_615, %get3A_616] {strides = array<i32>} : memref<2x16x512xf32, #tpu.memory_space<vmem>>, vector<16xf32>,
      %broadcast_in_dim3A_618 = arith.constant 8 : i32
      %broadcast_in_dim3A_619 = vector.broadcast %broadcast_in_dim3A_618 : i32 to vector<16xi32>
      %mul3A_620 = arith.constant 16 : i32
      %mul3A_621 = arith.muli %add3A_504, %mul3A_620 : i32
      %get3A_622 = arith.constant 0 : i32
      %get3A_623 = arith.constant 9 : i32
      %get3A_624 = arith.index_cast %get3A_622 : i32 to index
      %get3A_625 = arith.index_cast %get3A_623 : i32 to index
      %get3A_626 = arith.index_cast %mul3A_621 : i32 to index
      %get3A_627 = tpu.vector_load %arg4[%get3A_624, %get3A_625, %get3A_626] {strides = array<i32>} : memref<2x16x512xf32, #tpu.memory_space<vmem>>, vector<16xf32>,
      %gt3A_628 = arith.cmpf ogt, %get3A_627, %get3A_617 : vector<16xf32>
      %select_n3A_629 = arith.select %gt3A_628, %get3A_627, %get3A_617 : vector<16xi1>, vector<16xf32>
      %broadcast_in_dim3A_630 = arith.constant 9 : i32
      %broadcast_in_dim3A_631 = vector.broadcast %broadcast_in_dim3A_630 : i32 to vector<16xi32>
      %select_n3A_632 = arith.select %gt3A_628, %broadcast_in_dim3A_631, %broadcast_in_dim3A_619 : vector<16xi1>, vector<16xi32>
      %mul3A_633 = arith.constant 16 : i32
      %mul3A_634 = arith.muli %add3A_504, %mul3A_633 : i32
      %get3A_635 = arith.constant 0 : i32
      %get3A_636 = arith.constant 10 : i32
      %get3A_637 = arith.index_cast %get3A_635 : i32 to index
      %get3A_638 = arith.index_cast %get3A_636 : i32 to index
      %get3A_639 = arith.index_cast %mul3A_634 : i32 to index
      %get3A_640 = tpu.vector_load %arg4[%get3A_637, %get3A_638, %get3A_639] {strides = array<i32>} : memref<2x16x512xf32, #tpu.memory_space<vmem>>, vector<16xf32>,
      %gt3A_641 = arith.cmpf ogt, %get3A_640, %select_n3A_629 : vector<16xf32>
      %select_n3A_642 = arith.select %gt3A_641, %get3A_640, %select_n3A_629 : vector<16xi1>, vector<16xf32>
      %broadcast_in_dim3A_643 = arith.constant 10 : i32
      %broadcast_in_dim3A_644 = vector.broadcast %broadcast_in_dim3A_643 : i32 to vector<16xi32>
      %select_n3A_645 = arith.select %gt3A_641, %broadcast_in_dim3A_644, %select_n3A_632 : vector<16xi1>, vector<16xi32>
      %mul3A_646 = arith.constant 16 : i32
      %mul3A_647 = arith.muli %add3A_504, %mul3A_646 : i32
      %get3A_648 = arith.constant 0 : i32
      %get3A_649 = arith.constant 11 : i32
      %get3A_650 = arith.index_cast %get3A_648 : i32 to index
      %get3A_651 = arith.index_cast %get3A_649 : i32 to index
      %get3A_652 = arith.index_cast %mul3A_647 : i32 to index
      %get3A_653 = tpu.vector_load %arg4[%get3A_650, %get3A_651, %get3A_652] {strides = array<i32>} : memref<2x16x512xf32, #tpu.memory_space<vmem>>, vector<16xf32>,
      %gt3A_654 = arith.cmpf ogt, %get3A_653, %select_n3A_642 : vector<16xf32>
      %select_n3A_655 = arith.select %gt3A_654, %get3A_653, %select_n3A_642 : vector<16xi1>, vector<16xf32>
      %broadcast_in_dim3A_656 = arith.constant 11 : i32
      %broadcast_in_dim3A_657 = vector.broadcast %broadcast_in_dim3A_656 : i32 to vector<16xi32>
      %select_n3A_658 = arith.select %gt3A_654, %broadcast_in_dim3A_657, %select_n3A_645 : vector<16xi1>, vector<16xi32>
      %mul3A_659 = arith.constant 16 : i32
      %mul3A_660 = arith.muli %add3A_504, %mul3A_659 : i32
      %get3A_661 = arith.constant 0 : i32
      %get3A_662 = arith.constant 12 : i32
      %get3A_663 = arith.index_cast %get3A_661 : i32 to index
      %get3A_664 = arith.index_cast %get3A_662 : i32 to index
      %get3A_665 = arith.index_cast %mul3A_660 : i32 to index
      %get3A_666 = tpu.vector_load %arg4[%get3A_663, %get3A_664, %get3A_665] {strides = array<i32>} : memref<2x16x512xf32, #tpu.memory_space<vmem>>, vector<16xf32>,
      %gt3A_667 = arith.cmpf ogt, %get3A_666, %select_n3A_655 : vector<16xf32>
      %select_n3A_668 = arith.select %gt3A_667, %get3A_666, %select_n3A_655 : vector<16xi1>, vector<16xf32>
      %broadcast_in_dim3A_669 = arith.constant 12 : i32
      %broadcast_in_dim3A_670 = vector.broadcast %broadcast_in_dim3A_669 : i32 to vector<16xi32>
      %select_n3A_671 = arith.select %gt3A_667, %broadcast_in_dim3A_670, %select_n3A_658 : vector<16xi1>, vector<16xi32>
      %mul3A_672 = arith.constant 16 : i32
      %mul3A_673 = arith.muli %add3A_504, %mul3A_672 : i32
      %get3A_674 = arith.constant 0 : i32
      %get3A_675 = arith.constant 13 : i32
      %get3A_676 = arith.index_cast %get3A_674 : i32 to index
      %get3A_677 = arith.index_cast %get3A_675 : i32 to index
      %get3A_678 = arith.index_cast %mul3A_673 : i32 to index
      %get3A_679 = tpu.vector_load %arg4[%get3A_676, %get3A_677, %get3A_678] {strides = array<i32>} : memref<2x16x512xf32, #tpu.memory_space<vmem>>, vector<16xf32>,
      %gt3A_680 = arith.cmpf ogt, %get3A_679, %select_n3A_668 : vector<16xf32>
      %select_n3A_681 = arith.select %gt3A_680, %get3A_679, %select_n3A_668 : vector<16xi1>, vector<16xf32>
      %broadcast_in_dim3A_682 = arith.constant 13 : i32
      %broadcast_in_dim3A_683 = vector.broadcast %broadcast_in_dim3A_682 : i32 to vector<16xi32>
      %select_n3A_684 = arith.select %gt3A_680, %broadcast_in_dim3A_683, %select_n3A_671 : vector<16xi1>, vector<16xi32>
      %mul3A_685 = arith.constant 16 : i32
      %mul3A_686 = arith.muli %add3A_504, %mul3A_685 : i32
      %get3A_687 = arith.constant 0 : i32
      %get3A_688 = arith.constant 14 : i32
      %get3A_689 = arith.index_cast %get3A_687 : i32 to index
      %get3A_690 = arith.index_cast %get3A_688 : i32 to index
      %get3A_691 = arith.index_cast %mul3A_686 : i32 to index
      %get3A_692 = tpu.vector_load %arg4[%get3A_689, %get3A_690, %get3A_691] {strides = array<i32>} : memref<2x16x512xf32, #tpu.memory_space<vmem>>, vector<16xf32>,
      %gt3A_693 = arith.cmpf ogt, %get3A_692, %select_n3A_681 : vector<16xf32>
      %select_n3A_694 = arith.select %gt3A_693, %get3A_692, %select_n3A_681 : vector<16xi1>, vector<16xf32>
      %broadcast_in_dim3A_695 = arith.constant 14 : i32
      %broadcast_in_dim3A_696 = vector.broadcast %broadcast_in_dim3A_695 : i32 to vector<16xi32>
      %select_n3A_697 = arith.select %gt3A_693, %broadcast_in_dim3A_696, %select_n3A_684 : vector<16xi1>, vector<16xi32>
      %mul3A_698 = arith.constant 16 : i32
      %mul3A_699 = arith.muli %add3A_504, %mul3A_698 : i32
      %get3A_700 = arith.constant 0 : i32
      %get3A_701 = arith.constant 15 : i32
      %get3A_702 = arith.index_cast %get3A_700 : i32 to index
      %get3A_703 = arith.index_cast %get3A_701 : i32 to index
      %get3A_704 = arith.index_cast %mul3A_699 : i32 to index
      %get3A_705 = tpu.vector_load %arg4[%get3A_702, %get3A_703, %get3A_704] {strides = array<i32>} : memref<2x16x512xf32, #tpu.memory_space<vmem>>, vector<16xf32>,
      %gt3A_706 = arith.cmpf ogt, %get3A_705, %select_n3A_694 : vector<16xf32>
      %select_n3A_707 = arith.select %gt3A_706, %get3A_705, %select_n3A_694 : vector<16xi1>, vector<16xf32>
      %broadcast_in_dim3A_708 = arith.constant 15 : i32
      %broadcast_in_dim3A_709 = vector.broadcast %broadcast_in_dim3A_708 : i32 to vector<16xi32>
      %select_n3A_710 = arith.select %gt3A_706, %broadcast_in_dim3A_709, %select_n3A_697 : vector<16xi1>, vector<16xi32>
      %gt3A_711 = arith.cmpf ogt, %select_n3A_707, %select_n3A_606 : vector<16xf32>
      %select_n3A_712 = arith.select %gt3A_711, %select_n3A_710, %select_n3A_609 : vector<16xi1>, vector<16xi32>
      tpu.vector_store_idx %arg5[%select_n3A_712, %add3A_508], %broadcast_in_dim3A_40 {add = true} : memref<16x512xf32, #tpu.memory_space<vmem>>[vector<16xi32>, vector<16xi32>], vector<16xf32>,
      %mul3A_713 = arith.constant 16 : i32
      %mul3A_714 = arith.muli %add3A_504, %mul3A_713 : i32
      %get3A_715 = arith.constant 1 : i32
      %get3A_716 = arith.constant 0 : i32
      %get3A_717 = arith.index_cast %get3A_715 : i32 to index
      %get3A_718 = arith.index_cast %get3A_716 : i32 to index
      %get3A_719 = arith.index_cast %mul3A_714 : i32 to index
      %get3A_720 = tpu.vector_load %arg4[%get3A_717, %get3A_718, %get3A_719] {strides = array<i32>} : memref<2x16x512xf32, #tpu.memory_space<vmem>>, vector<16xf32>,
      %broadcast_in_dim3A_721 = arith.constant 0 : i32
      %broadcast_in_dim3A_722 = vector.broadcast %broadcast_in_dim3A_721 : i32 to vector<16xi32>
      %mul3A_723 = arith.constant 16 : i32
      %mul3A_724 = arith.muli %add3A_504, %mul3A_723 : i32
      %get3A_725 = arith.constant 1 : i32
      %get3A_726 = arith.constant 1 : i32
      %get3A_727 = arith.index_cast %get3A_725 : i32 to index
      %get3A_728 = arith.index_cast %get3A_726 : i32 to index
      %get3A_729 = arith.index_cast %mul3A_724 : i32 to index
      %get3A_730 = tpu.vector_load %arg4[%get3A_727, %get3A_728, %get3A_729] {strides = array<i32>} : memref<2x16x512xf32, #tpu.memory_space<vmem>>, vector<16xf32>,
      %gt3A_731 = arith.cmpf ogt, %get3A_730, %get3A_720 : vector<16xf32>
      %select_n3A_732 = arith.select %gt3A_731, %get3A_730, %get3A_720 : vector<16xi1>, vector<16xf32>
      %broadcast_in_dim3A_733 = arith.constant 1 : i32
      %broadcast_in_dim3A_734 = vector.broadcast %broadcast_in_dim3A_733 : i32 to vector<16xi32>
      %select_n3A_735 = arith.select %gt3A_731, %broadcast_in_dim3A_734, %broadcast_in_dim3A_722 : vector<16xi1>, vector<16xi32>
      %mul3A_736 = arith.constant 16 : i32
      %mul3A_737 = arith.muli %add3A_504, %mul3A_736 : i32
      %get3A_738 = arith.constant 1 : i32
      %get3A_739 = arith.constant 2 : i32
      %get3A_740 = arith.index_cast %get3A_738 : i32 to index
      %get3A_741 = arith.index_cast %get3A_739 : i32 to index
      %get3A_742 = arith.index_cast %mul3A_737 : i32 to index
      %get3A_743 = tpu.vector_load %arg4[%get3A_740, %get3A_741, %get3A_742] {strides = array<i32>} : memref<2x16x512xf32, #tpu.memory_space<vmem>>, vector<16xf32>,
      %gt3A_744 = arith.cmpf ogt, %get3A_743, %select_n3A_732 : vector<16xf32>
      %select_n3A_745 = arith.select %gt3A_744, %get3A_743, %select_n3A_732 : vector<16xi1>, vector<16xf32>
      %broadcast_in_dim3A_746 = arith.constant 2 : i32
      %broadcast_in_dim3A_747 = vector.broadcast %broadcast_in_dim3A_746 : i32 to vector<16xi32>
      %select_n3A_748 = arith.select %gt3A_744, %broadcast_in_dim3A_747, %select_n3A_735 : vector<16xi1>, vector<16xi32>
      %mul3A_749 = arith.constant 16 : i32
      %mul3A_750 = arith.muli %add3A_504, %mul3A_749 : i32
      %get3A_751 = arith.constant 1 : i32
      %get3A_752 = arith.constant 3 : i32
      %get3A_753 = arith.index_cast %get3A_751 : i32 to index
      %get3A_754 = arith.index_cast %get3A_752 : i32 to index
      %get3A_755 = arith.index_cast %mul3A_750 : i32 to index
      %get3A_756 = tpu.vector_load %arg4[%get3A_753, %get3A_754, %get3A_755] {strides = array<i32>} : memref<2x16x512xf32, #tpu.memory_space<vmem>>, vector<16xf32>,
      %gt3A_757 = arith.cmpf ogt, %get3A_756, %select_n3A_745 : vector<16xf32>
      %select_n3A_758 = arith.select %gt3A_757, %get3A_756, %select_n3A_745 : vector<16xi1>, vector<16xf32>
      %broadcast_in_dim3A_759 = arith.constant 3 : i32
      %broadcast_in_dim3A_760 = vector.broadcast %broadcast_in_dim3A_759 : i32 to vector<16xi32>
      %select_n3A_761 = arith.select %gt3A_757, %broadcast_in_dim3A_760, %select_n3A_748 : vector<16xi1>, vector<16xi32>
      %mul3A_762 = arith.constant 16 : i32
      %mul3A_763 = arith.muli %add3A_504, %mul3A_762 : i32
      %get3A_764 = arith.constant 1 : i32
      %get3A_765 = arith.constant 4 : i32
      %get3A_766 = arith.index_cast %get3A_764 : i32 to index
      %get3A_767 = arith.index_cast %get3A_765 : i32 to index
      %get3A_768 = arith.index_cast %mul3A_763 : i32 to index
      %get3A_769 = tpu.vector_load %arg4[%get3A_766, %get3A_767, %get3A_768] {strides = array<i32>} : memref<2x16x512xf32, #tpu.memory_space<vmem>>, vector<16xf32>,
      %gt3A_770 = arith.cmpf ogt, %get3A_769, %select_n3A_758 : vector<16xf32>
      %select_n3A_771 = arith.select %gt3A_770, %get3A_769, %select_n3A_758 : vector<16xi1>, vector<16xf32>
      %broadcast_in_dim3A_772 = arith.constant 4 : i32
      %broadcast_in_dim3A_773 = vector.broadcast %broadcast_in_dim3A_772 : i32 to vector<16xi32>
      %select_n3A_774 = arith.select %gt3A_770, %broadcast_in_dim3A_773, %select_n3A_761 : vector<16xi1>, vector<16xi32>
      %mul3A_775 = arith.constant 16 : i32
      %mul3A_776 = arith.muli %add3A_504, %mul3A_775 : i32
      %get3A_777 = arith.constant 1 : i32
      %get3A_778 = arith.constant 5 : i32
      %get3A_779 = arith.index_cast %get3A_777 : i32 to index
      %get3A_780 = arith.index_cast %get3A_778 : i32 to index
      %get3A_781 = arith.index_cast %mul3A_776 : i32 to index
      %get3A_782 = tpu.vector_load %arg4[%get3A_779, %get3A_780, %get3A_781] {strides = array<i32>} : memref<2x16x512xf32, #tpu.memory_space<vmem>>, vector<16xf32>,
      %gt3A_783 = arith.cmpf ogt, %get3A_782, %select_n3A_771 : vector<16xf32>
      %select_n3A_784 = arith.select %gt3A_783, %get3A_782, %select_n3A_771 : vector<16xi1>, vector<16xf32>
      %broadcast_in_dim3A_785 = arith.constant 5 : i32
      %broadcast_in_dim3A_786 = vector.broadcast %broadcast_in_dim3A_785 : i32 to vector<16xi32>
      %select_n3A_787 = arith.select %gt3A_783, %broadcast_in_dim3A_786, %select_n3A_774 : vector<16xi1>, vector<16xi32>
      %mul3A_788 = arith.constant 16 : i32
      %mul3A_789 = arith.muli %add3A_504, %mul3A_788 : i32
      %get3A_790 = arith.constant 1 : i32
      %get3A_791 = arith.constant 6 : i32
      %get3A_792 = arith.index_cast %get3A_790 : i32 to index
      %get3A_793 = arith.index_cast %get3A_791 : i32 to index
      %get3A_794 = arith.index_cast %mul3A_789 : i32 to index
      %get3A_795 = tpu.vector_load %arg4[%get3A_792, %get3A_793, %get3A_794] {strides = array<i32>} : memref<2x16x512xf32, #tpu.memory_space<vmem>>, vector<16xf32>,
      %gt3A_796 = arith.cmpf ogt, %get3A_795, %select_n3A_784 : vector<16xf32>
      %select_n3A_797 = arith.select %gt3A_796, %get3A_795, %select_n3A_784 : vector<16xi1>, vector<16xf32>
      %broadcast_in_dim3A_798 = arith.constant 6 : i32
      %broadcast_in_dim3A_799 = vector.broadcast %broadcast_in_dim3A_798 : i32 to vector<16xi32>
      %select_n3A_800 = arith.select %gt3A_796, %broadcast_in_dim3A_799, %select_n3A_787 : vector<16xi1>, vector<16xi32>
      %mul3A_801 = arith.constant 16 : i32
      %mul3A_802 = arith.muli %add3A_504, %mul3A_801 : i32
      %get3A_803 = arith.constant 1 : i32
      %get3A_804 = arith.constant 7 : i32
      %get3A_805 = arith.index_cast %get3A_803 : i32 to index
      %get3A_806 = arith.index_cast %get3A_804 : i32 to index
      %get3A_807 = arith.index_cast %mul3A_802 : i32 to index
      %get3A_808 = tpu.vector_load %arg4[%get3A_805, %get3A_806, %get3A_807] {strides = array<i32>} : memref<2x16x512xf32, #tpu.memory_space<vmem>>, vector<16xf32>,
      %gt3A_809 = arith.cmpf ogt, %get3A_808, %select_n3A_797 : vector<16xf32>
      %select_n3A_810 = arith.select %gt3A_809, %get3A_808, %select_n3A_797 : vector<16xi1>, vector<16xf32>
      %broadcast_in_dim3A_811 = arith.constant 7 : i32
      %broadcast_in_dim3A_812 = vector.broadcast %broadcast_in_dim3A_811 : i32 to vector<16xi32>
      %select_n3A_813 = arith.select %gt3A_809, %broadcast_in_dim3A_812, %select_n3A_800 : vector<16xi1>, vector<16xi32>
      %mul3A_814 = arith.constant 16 : i32
      %mul3A_815 = arith.muli %add3A_504, %mul3A_814 : i32
      %get3A_816 = arith.constant 1 : i32
      %get3A_817 = arith.constant 8 : i32
      %get3A_818 = arith.index_cast %get3A_816 : i32 to index
      %get3A_819 = arith.index_cast %get3A_817 : i32 to index
      %get3A_820 = arith.index_cast %mul3A_815 : i32 to index
      %get3A_821 = tpu.vector_load %arg4[%get3A_818, %get3A_819, %get3A_820] {strides = array<i32>} : memref<2x16x512xf32, #tpu.memory_space<vmem>>, vector<16xf32>,
      %broadcast_in_dim3A_822 = arith.constant 8 : i32
      %broadcast_in_dim3A_823 = vector.broadcast %broadcast_in_dim3A_822 : i32 to vector<16xi32>
      %mul3A_824 = arith.constant 16 : i32
      %mul3A_825 = arith.muli %add3A_504, %mul3A_824 : i32
      %get3A_826 = arith.constant 1 : i32
      %get3A_827 = arith.constant 9 : i32
      %get3A_828 = arith.index_cast %get3A_826 : i32 to index
      %get3A_829 = arith.index_cast %get3A_827 : i32 to index
      %get3A_830 = arith.index_cast %mul3A_825 : i32 to index
      %get3A_831 = tpu.vector_load %arg4[%get3A_828, %get3A_829, %get3A_830] {strides = array<i32>} : memref<2x16x512xf32, #tpu.memory_space<vmem>>, vector<16xf32>,
      %gt3A_832 = arith.cmpf ogt, %get3A_831, %get3A_821 : vector<16xf32>
      %select_n3A_833 = arith.select %gt3A_832, %get3A_831, %get3A_821 : vector<16xi1>, vector<16xf32>
      %broadcast_in_dim3A_834 = arith.constant 9 : i32
      %broadcast_in_dim3A_835 = vector.broadcast %broadcast_in_dim3A_834 : i32 to vector<16xi32>
      %select_n3A_836 = arith.select %gt3A_832, %broadcast_in_dim3A_835, %broadcast_in_dim3A_823 : vector<16xi1>, vector<16xi32>
      %mul3A_837 = arith.constant 16 : i32
      %mul3A_838 = arith.muli %add3A_504, %mul3A_837 : i32
      %get3A_839 = arith.constant 1 : i32
      %get3A_840 = arith.constant 10 : i32
      %get3A_841 = arith.index_cast %get3A_839 : i32 to index
      %get3A_842 = arith.index_cast %get3A_840 : i32 to index
      %get3A_843 = arith.index_cast %mul3A_838 : i32 to index
      %get3A_844 = tpu.vector_load %arg4[%get3A_841, %get3A_842, %get3A_843] {strides = array<i32>} : memref<2x16x512xf32, #tpu.memory_space<vmem>>, vector<16xf32>,
      %gt3A_845 = arith.cmpf ogt, %get3A_844, %select_n3A_833 : vector<16xf32>
      %select_n3A_846 = arith.select %gt3A_845, %get3A_844, %select_n3A_833 : vector<16xi1>, vector<16xf32>
      %broadcast_in_dim3A_847 = arith.constant 10 : i32
      %broadcast_in_dim3A_848 = vector.broadcast %broadcast_in_dim3A_847 : i32 to vector<16xi32>
      %select_n3A_849 = arith.select %gt3A_845, %broadcast_in_dim3A_848, %select_n3A_836 : vector<16xi1>, vector<16xi32>
      %mul3A_850 = arith.constant 16 : i32
      %mul3A_851 = arith.muli %add3A_504, %mul3A_850 : i32
      %get3A_852 = arith.constant 1 : i32
      %get3A_853 = arith.constant 11 : i32
      %get3A_854 = arith.index_cast %get3A_852 : i32 to index
      %get3A_855 = arith.index_cast %get3A_853 : i32 to index
      %get3A_856 = arith.index_cast %mul3A_851 : i32 to index
      %get3A_857 = tpu.vector_load %arg4[%get3A_854, %get3A_855, %get3A_856] {strides = array<i32>} : memref<2x16x512xf32, #tpu.memory_space<vmem>>, vector<16xf32>,
      %gt3A_858 = arith.cmpf ogt, %get3A_857, %select_n3A_846 : vector<16xf32>
      %select_n3A_859 = arith.select %gt3A_858, %get3A_857, %select_n3A_846 : vector<16xi1>, vector<16xf32>
      %broadcast_in_dim3A_860 = arith.constant 11 : i32
      %broadcast_in_dim3A_861 = vector.broadcast %broadcast_in_dim3A_860 : i32 to vector<16xi32>
      %select_n3A_862 = arith.select %gt3A_858, %broadcast_in_dim3A_861, %select_n3A_849 : vector<16xi1>, vector<16xi32>
      %mul3A_863 = arith.constant 16 : i32
      %mul3A_864 = arith.muli %add3A_504, %mul3A_863 : i32
      %get3A_865 = arith.constant 1 : i32
      %get3A_866 = arith.constant 12 : i32
      %get3A_867 = arith.index_cast %get3A_865 : i32 to index
      %get3A_868 = arith.index_cast %get3A_866 : i32 to index
      %get3A_869 = arith.index_cast %mul3A_864 : i32 to index
      %get3A_870 = tpu.vector_load %arg4[%get3A_867, %get3A_868, %get3A_869] {strides = array<i32>} : memref<2x16x512xf32, #tpu.memory_space<vmem>>, vector<16xf32>,
      %gt3A_871 = arith.cmpf ogt, %get3A_870, %select_n3A_859 : vector<16xf32>
      %select_n3A_872 = arith.select %gt3A_871, %get3A_870, %select_n3A_859 : vector<16xi1>, vector<16xf32>
      %broadcast_in_dim3A_873 = arith.constant 12 : i32
      %broadcast_in_dim3A_874 = vector.broadcast %broadcast_in_dim3A_873 : i32 to vector<16xi32>
      %select_n3A_875 = arith.select %gt3A_871, %broadcast_in_dim3A_874, %select_n3A_862 : vector<16xi1>, vector<16xi32>
      %mul3A_876 = arith.constant 16 : i32
      %mul3A_877 = arith.muli %add3A_504, %mul3A_876 : i32
      %get3A_878 = arith.constant 1 : i32
      %get3A_879 = arith.constant 13 : i32
      %get3A_880 = arith.index_cast %get3A_878 : i32 to index
      %get3A_881 = arith.index_cast %get3A_879 : i32 to index
      %get3A_882 = arith.index_cast %mul3A_877 : i32 to index
      %get3A_883 = tpu.vector_load %arg4[%get3A_880, %get3A_881, %get3A_882] {strides = array<i32>} : memref<2x16x512xf32, #tpu.memory_space<vmem>>, vector<16xf32>,
      %gt3A_884 = arith.cmpf ogt, %get3A_883, %select_n3A_872 : vector<16xf32>
      %select_n3A_885 = arith.select %gt3A_884, %get3A_883, %select_n3A_872 : vector<16xi1>, vector<16xf32>
      %broadcast_in_dim3A_886 = arith.constant 13 : i32
      %broadcast_in_dim3A_887 = vector.broadcast %broadcast_in_dim3A_886 : i32 to vector<16xi32>
      %select_n3A_888 = arith.select %gt3A_884, %broadcast_in_dim3A_887, %select_n3A_875 : vector<16xi1>, vector<16xi32>
      %mul3A_889 = arith.constant 16 : i32
      %mul3A_890 = arith.muli %add3A_504, %mul3A_889 : i32
      %get3A_891 = arith.constant 1 : i32
      %get3A_892 = arith.constant 14 : i32
      %get3A_893 = arith.index_cast %get3A_891 : i32 to index
      %get3A_894 = arith.index_cast %get3A_892 : i32 to index
      %get3A_895 = arith.index_cast %mul3A_890 : i32 to index
      %get3A_896 = tpu.vector_load %arg4[%get3A_893, %get3A_894, %get3A_895] {strides = array<i32>} : memref<2x16x512xf32, #tpu.memory_space<vmem>>, vector<16xf32>,
      %gt3A_897 = arith.cmpf ogt, %get3A_896, %select_n3A_885 : vector<16xf32>
      %select_n3A_898 = arith.select %gt3A_897, %get3A_896, %select_n3A_885 : vector<16xi1>, vector<16xf32>
      %broadcast_in_dim3A_899 = arith.constant 14 : i32
      %broadcast_in_dim3A_900 = vector.broadcast %broadcast_in_dim3A_899 : i32 to vector<16xi32>
      %select_n3A_901 = arith.select %gt3A_897, %broadcast_in_dim3A_900, %select_n3A_888 : vector<16xi1>, vector<16xi32>
      %mul3A_902 = arith.constant 16 : i32
      %mul3A_903 = arith.muli %add3A_504, %mul3A_902 : i32
      %get3A_904 = arith.constant 1 : i32
      %get3A_905 = arith.constant 15 : i32
      %get3A_906 = arith.index_cast %get3A_904 : i32 to index
      %get3A_907 = arith.index_cast %get3A_905 : i32 to index
      %get3A_908 = arith.index_cast %mul3A_903 : i32 to index
      %get3A_909 = tpu.vector_load %arg4[%get3A_906, %get3A_907, %get3A_908] {strides = array<i32>} : memref<2x16x512xf32, #tpu.memory_space<vmem>>, vector<16xf32>,
      %gt3A_910 = arith.cmpf ogt, %get3A_909, %select_n3A_898 : vector<16xf32>
      %select_n3A_911 = arith.select %gt3A_910, %get3A_909, %select_n3A_898 : vector<16xi1>, vector<16xf32>
      %broadcast_in_dim3A_912 = arith.constant 15 : i32
      %broadcast_in_dim3A_913 = vector.broadcast %broadcast_in_dim3A_912 : i32 to vector<16xi32>
      %select_n3A_914 = arith.select %gt3A_910, %broadcast_in_dim3A_913, %select_n3A_901 : vector<16xi1>, vector<16xi32>
      %gt3A_915 = arith.cmpf ogt, %select_n3A_911, %select_n3A_810 : vector<16xf32>
      %select_n3A_916 = arith.select %gt3A_915, %select_n3A_914, %select_n3A_813 : vector<16xi1>, vector<16xi32>
      tpu.vector_store_idx %arg5[%select_n3A_916, %add3A_508], %broadcast_in_dim3A_40 {add = true} : memref<16x512xf32, #tpu.memory_space<vmem>>[vector<16xi32>, vector<16xi32>], vector<16xf32>,
    }
    %scan3A_84 = arith.constant 16 : i32
    %mul3A_85 = arith.constant 16 : i32
    %mul3A_86 = arith.muli %add3A, %mul3A_85 : i32
    "tpu.region"() ({
      %run_scoped3A = tpu.sem_alloc : memref<!tpu.dma_semaphore, #tpu.memory_space<semaphore_mem>>
      %dma_start3A_87 = arith.constant 0 : i32
      %dma_start3A_88 = tpu.memref_slice %arg3[%mul3A_86, %dma_start3A_87] : memref<512x512xf32, #tpu.memory_space<hbm>> -> memref<16x512xf32, #tpu.memory_space<hbm>>
      %dma_start3A_89 = arith.constant 0 : i32
      %dma_start3A_90 = tpu.memref_slice %arg3[%mul3A_86, %dma_start3A_89] : memref<512x512xf32, #tpu.memory_space<hbm>> -> memref<16x512xf32, #tpu.memory_space<hbm>>
      tpu.enqueue_dma source(%arg5 : memref<16x512xf32, #tpu.memory_space<vmem>>) target(%dma_start3A_90 : memref<16x512xf32, #tpu.memory_space<hbm>>) target_semaphore(%run_scoped3A : memref<!tpu.dma_semaphore, #tpu.memory_space<semaphore_mem>>)
      %dma_wait3A_91 = arith.constant 0 : i32
      %dma_wait3A_92 = tpu.memref_slice %arg3[%mul3A_86, %dma_wait3A_91] : memref<512x512xf32, #tpu.memory_space<hbm>> -> memref<16x512xf32, #tpu.memory_space<hbm>>
      %dma_wait3A_93 = arith.constant 0 : i32
      %dma_wait3A_94 = tpu.memref_slice %arg3[%mul3A_86, %dma_wait3A_93] : memref<512x512xf32, #tpu.memory_space<hbm>> -> memref<16x512xf32, #tpu.memory_space<hbm>>
      tpu.wait_dma2 semaphore(%run_scoped3A : memref<!tpu.dma_semaphore, #tpu.memory_space<semaphore_mem>>) src(%arg5 : memref<16x512xf32, #tpu.memory_space<vmem>>) dst(%dma_wait3A_94 : memref<16x512xf32, #tpu.memory_space<hbm>>)
      tpu.yield
    }) : () -> ()
    return
  }
}

module attributes {stable_mosaic.version = 14 : i64} {
  func.func @_tc_mov_body(%arg0: memref<80x2x512xf32, #tpu.memory_space<vmem>>, %arg1: memref<1x1xf32, #tpu.memory_space<vmem>>) attributes {dimension_semantics = [], scalar_prefetch = 0 : i64, scratch_operands = 0 : i64, tpu.core_type = #tpu.core_type<tc>} {
    %get3A = arith.constant 0 : index
    %get3A_0 = arith.constant 0 : index
    %get3A_1 = arith.constant 0 : index
    %get3A_2 = vector.load %arg0[%get3A, %get3A_0, %get3A_1] : memref<80x2x512xf32, #tpu.memory_space<vmem>>, vector<80x2x512xf32>
    %mul3A = arith.mulf %get3A_2, %get3A_2 : vector<80x2x512xf32>
    %reduce_sum3A = arith.constant dense<0.000000e+00> : vector<80x512xf32>
    %reduce_sum3A_3 = vector.multi_reduction <add>, %mul3A, %reduce_sum3A [1] : vector<80x2x512xf32> to vector<80x512xf32>
    %sqrt3A = math.sqrt %reduce_sum3A_3 : vector<80x512xf32>
    %reduce_sum3A_4 = vector.shape_cast %sqrt3A : vector<80x512xf32> to vector<1x80x512xf32>
    %reduce_sum3A_5 = arith.constant dense<0.000000e+00> : vector<1xf32>
    %reduce_sum3A_6 = vector.multi_reduction <add>, %reduce_sum3A_4, %reduce_sum3A_5 [1, 2] : vector<1x80x512xf32> to vector<1xf32>
    %reduce_sum3A_7 = vector.shape_cast %reduce_sum3A_6 : vector<1xf32> to vector<1x1x1xf32>
    %reduce_sum3A_8 = vector.extract %reduce_sum3A_7[0, 0, 0] : f32 from vector<1x1x1xf32>
    %reshape3A = vector.broadcast %reduce_sum3A_8 : f32 to vector<1x1xf32>
    %swap3A = arith.constant 0 : index
    %swap3A_9 = arith.constant 0 : index
    %swap3A_10 = vector.load %arg1[%swap3A, %swap3A_9] : memref<1x1xf32, #tpu.memory_space<vmem>>, vector<1x1xf32>
    tpu.vector_store %arg1[%swap3A, %swap3A_9], %reshape3A {strides = array<i32>} : memref<1x1xf32, #tpu.memory_space<vmem>>, vector<1x1xf32>,
    return
  }
}

module attributes {stable_mosaic.version = 14 : i64} {
  func.func @_tc_cost_body(%arg0: memref<512x512xf32, #tpu.memory_space<vmem>>, %arg1: memref<16x1x512xf32, #tpu.memory_space<vmem>>, %arg2: memref<1x1xf32, #tpu.memory_space<vmem>>, %arg3: memref<1x1xf32, #tpu.memory_space<vmem>>, %arg4: memref<1x512xf32, #tpu.memory_space<vmem>>) attributes {dimension_semantics = [], scalar_prefetch = 0 : i64, scratch_operands = 0 : i64, tpu.core_type = #tpu.core_type<tc>} {
    %get3A = arith.constant 0 : index
    %get3A_0 = arith.constant 0 : index
    %get3A_1 = vector.load %arg0[%get3A, %get3A_0] : memref<512x512xf32, #tpu.memory_space<vmem>>, vector<512x512xf32>
    %reshape3A = vector.shape_cast %get3A_1 : vector<512x512xf32> to vector<32x16x512xf32>
    %reduce_sum3A = arith.constant dense<0.000000e+00> : vector<16x512xf32>
    %reduce_sum3A_2 = vector.multi_reduction <add>, %reshape3A, %reduce_sum3A [0] : vector<32x16x512xf32> to vector<16x512xf32>
    %reduce_max3A = arith.constant dense<0xFF800000> : vector<512xf32>
    %reduce_max3A_3 = vector.multi_reduction <maximumf>, %reduce_sum3A_2, %reduce_max3A [0] : vector<16x512xf32> to vector<512xf32>
    %mul3A = arith.constant 1.562500e-02 : f32
    %mul3A_4 = vector.broadcast %mul3A : f32 to vector<512xf32>
    %mul3A_5 = arith.mulf %reduce_max3A_3, %mul3A_4 : vector<512xf32>
    %get3A_6 = arith.constant 0 : index
    %get3A_7 = arith.constant 0 : index
    %get3A_8 = arith.constant 0 : index
    %get3A_9 = vector.load %arg1[%get3A_6, %get3A_7, %get3A_8] : memref<16x1x512xf32, #tpu.memory_space<vmem>>, vector<16x1x512xf32>
    %get3A_10 = vector.shape_cast %get3A_9 : vector<16x1x512xf32> to vector<16x512xf32>
    %mul3A_11 = arith.mulf %reduce_sum3A_2, %get3A_10 : vector<16x512xf32>
    %reduce_sum3A_12 = arith.constant dense<0.000000e+00> : vector<512xf32>
    %reduce_sum3A_13 = vector.multi_reduction <add>, %mul3A_11, %reduce_sum3A_12 [0] : vector<16x512xf32> to vector<512xf32>
    %sub3A = arith.constant 0.699999988 : f32
    %sub3A_14 = vector.broadcast %sub3A : f32 to vector<512xf32>
    %sub3A_15 = arith.subf %mul3A_5, %sub3A_14 : vector<512xf32>
    %mul3A_16 = arith.constant 3.000000e+01 : f32
    %mul3A_17 = vector.broadcast %mul3A_16 : f32 to vector<512xf32>
    %mul3A_18 = arith.mulf %mul3A_17, %sub3A_15 : vector<512xf32>
    %exp3A = math.exp %mul3A_18 : vector<512xf32>
    %add3A = arith.constant 1.000000e+00 : f32
    %add3A_19 = vector.broadcast %add3A : f32 to vector<512xf32>
    %add3A_20 = arith.addf %add3A_19, %exp3A : vector<512xf32>
    %mul3A_21 = arith.mulf %reduce_sum3A_13, %add3A_20 : vector<512xf32>
    %mul3A_22 = arith.constant 0.00999999977 : f32
    %mul3A_23 = vector.broadcast %mul3A_22 : f32 to vector<512xf32>
    %mul3A_24 = arith.mulf %mul3A_21, %mul3A_23 : vector<512xf32>
    %get3A_25 = arith.constant 0 : index
    %get3A_26 = arith.constant 0 : index
    %get3A_27 = vector.load %arg2[%get3A_25, %get3A_26] : memref<1x1xf32, #tpu.memory_space<vmem>>, vector<1x1xf32>
    %get3A_28 = vector.extract %get3A_27[0, 0] : f32 from vector<1x1xf32>
    %reduce_sum3A_29 = vector.shape_cast %mul3A_24 : vector<512xf32> to vector<1x512xf32>
    %reduce_sum3A_30 = arith.constant dense<0.000000e+00> : vector<1xf32>
    %reduce_sum3A_31 = vector.multi_reduction <add>, %reduce_sum3A_29, %reduce_sum3A_30 [1] : vector<1x512xf32> to vector<1xf32>
    %reduce_sum3A_32 = vector.shape_cast %reduce_sum3A_31 : vector<1xf32> to vector<1x1xf32>
    %reduce_sum3A_33 = vector.extract %reduce_sum3A_32[0, 0] : f32 from vector<1x1xf32>
    %sub3A_34 = arith.subf %get3A_28, %reduce_sum3A_33 : f32
    %reshape3A_35 = vector.broadcast %sub3A_34 : f32 to vector<1x1xf32>
    %swap3A = arith.constant 0 : index
    %swap3A_36 = arith.constant 0 : index
    %swap3A_37 = vector.load %arg3[%swap3A, %swap3A_36] : memref<1x1xf32, #tpu.memory_space<vmem>>, vector<1x1xf32>
    tpu.vector_store %arg3[%swap3A, %swap3A_36], %reshape3A_35 {strides = array<i32>} : memref<1x1xf32, #tpu.memory_space<vmem>>, vector<1x1xf32>,
    %reshape3A_38 = vector.shape_cast %mul3A_5 : vector<512xf32> to vector<1x512xf32>
    %swap3A_39 = arith.constant 0 : index
    %swap3A_40 = arith.constant 0 : index
    %swap3A_41 = vector.load %arg4[%swap3A_39, %swap3A_40] : memref<1x512xf32, #tpu.memory_space<vmem>>, vector<1x512xf32>
    tpu.vector_store %arg4[%swap3A_39, %swap3A_40], %reshape3A_38 {strides = array<i32>} : memref<1x512xf32, #tpu.memory_space<vmem>>, vector<1x512xf32>,
    return
  }
}

</mosaic_0001>

<sc_bundles>
// kernel: kernel.5.cloned.1.call-start
scs
__scs_entry_jumppad:
0x0: {  	(pc) =	sbr.rel $0x88, $3  }
0x1: {  	(tag) =	ssettag $0x0;
	lr =	simm.s32 $0x1  }
0x2: {  	[smem:$0x3F9E] =	sst lr;
	_ =	strace $0xD0000000  }
0x3: {  	_ = 	snop  }
0x4: {  	_ = 	snop  }
0x5: {  	_ = 	snop  }
0x6: {  	_ = 	snop  }
0x7: {  	_ = 	snop  }
__scs_overlays_trampoline_lowered:
0x8: {  	[smem:$0x3FAD] =	sst s0  }
0x9: {  	[smem:$0x3FAE] =	sst s1  }
0xa: {  	[smem:$0x3FAF] =	sst s2  }
0xb: {  	[smem:$0x3FB0] =	sst s3  }
0xc: {  	[smem:$0x3FB1] =	sst s4  }
0xd: {  	[smem:$0x3FB2] =	sst s5  }
0xe: {  	[smem:$0x3FB3] =	sst s6  }
0xf: {  	[smem:$0x3FB4] =	sst s7  }
0x10: {  	[smem:$0x3FB5] =	sst s8  }
0x11: {  	[smem:$0x3FB6] =	sst s9;
	s0 =	simm.s32 @!p0 $0x0  }
0x12: {  	s1 =	sld [smem:$0x3F9C];
	s0 =	simm.s32 @p0 $0x1  }
0x13: {  	[smem:$0x3FB7] =	sst s0;
	s0 =	simm.s32 @!p1 $0x0  }
0x14: {  	s2 =	sld [smem:$0x3F9B];
	s0 =	simm.s32 @p1 $0x1  }
0x15: {  	[smem:$0x3FB8] =	sst s0;
	s0 =	simm.s32 @!p2 $0x0  }
0x16: {  	s3 =	sld [smem:$0x3FDB];
	s0 =	simm.s32 @p2 $0x1  }
0x17: {  	s4 =	simm.s32 $0x1BF5;
	[smem:$0x3FBA] =	sst s0  }
0x18: {  	s0 =	sld [smem:$0x3F9D];
	_ =	swait.ge [sflag:s4], $0x0  }
0x19: {  	s7 =	sld [smem:$0x3F9E]  }
0x1a: {  	s8 =	sadd.s32 $0xFFFFE003, lr  }
0x1b: {  	s9 =	sadd.s32 $0xFFFFFEF7, lr;
	s5 =	simm.s32 $0xFFFFFFFF;
	p2 =	slt.u32 s8, $0xFFFFF086  }
0x1c: {  	p1 =	slt.u32 s9, $0xF7A;
	s5 =	simm.s32 @!p2 $0x0  }
0x1d: {  	s5 =	simm.s32 @p1 $0x1;
	p0 =	seq.s32 s7, s2  }
0x1e: {  	s7 =	smul.u32 @!p0 $0xF7A, s2;
	p2 =	seq.s32 @!p0 s5, $0x0  }
0x1f: {  	s9 =	smul.u32 $0xF7A, s1;
	s8 =	simm.s32 @!p0 $0x1BF5;
	p2 =	por !p2, p0  }
0x20: {  	[sflag:s8] =	ssyncset.s32 @!p0 $0xFFFFF086;
	s6 =	sadd.s32 @!p0 s3, s7;
	s7 =	simm.s32 @!p0 $0x108  }
0x21: {  	s3 =	sadd.s32 s3, s9;
	s6 =	sadd.s32 @!p0 $0x88, s6;
	s7 =	simm.s32 @p2 $0x1082  }
0x22: {  	[simem:s7], [sflag:s8] =	dma.local @!p0 [hbm:s6], $0xF7A  }
0x23: {  	s9 =	sor.u32 $0xD0000000, s2;
	s6 =	simm.s32 $0x108;
	_ =	swait.ge @!p0 [sflag:s8], $0x0  }
0x24: {  	s3 =	sadd.s32 $0x88, s3;
	s6 =	simm.s32 @!p1 $0x1082;
	[sflag:s4] =	ssyncset.s32 $0xFFFFF086  }
0x25: {  	[simem:s6], [sflag:s4] =	dma.local [hbm:s3], $0xF7A  }
0x26: {  	[smem:$0x3F9E] =	sst s1;
	(tag) =	ssettag s2;
	_ =	strace s9  }
0x27: {  	s1 =	sld [smem:$0x3FAE]  }
0x28: {  	s2 =	sld [smem:$0x3FAF]  }
0x29: {  	s4 =	sld [smem:$0x3FB1]  }
0x2a: {  	p0 =	seq.s32 s5, $0x0;
	s5 =	sld [smem:$0x3FB2]  }
0x2b: {  	s6 =	sld [smem:$0x3FB3]  }
0x2c: {  	s7 =	sld [smem:$0x3FB4]  }
0x2d: {  	s3 =	simm.s32 $0x108;
	s8 =	sld [smem:$0x3FB5]  }
0x2e: {  	s3 =	simm.s32 @!p0 $0x1082;
	s9 =	sld [smem:$0x3FB6]  }
0x2f: {  	lr =	sadd.s32 s0, s3;
	s0 =	sld [smem:$0x3FAD]  }
0x30: {  	s3 =	sld [smem:$0x3FB0]  }
0x31: {  	[smem:$0x3FB9] =	sst s10  }
0x32: {  	s10 =	sld [smem:$0x3FB7];
	_ =	sdelay $0x3  }
0x33: {  	p0 =	seq.s32 s10, $0x1;
	s10 =	sld [smem:$0x3FB9];
	_ =	sdelay $0x3  }
0x34: {  	[smem:$0x3FB9] =	sst s10  }
0x35: {  	s10 =	sld [smem:$0x3FB8];
	_ =	sdelay $0x3  }
0x36: {  	p1 =	seq.s32 s10, $0x1;
	s10 =	sld [smem:$0x3FB9];
	_ =	sdelay $0x3  }
0x37: {  	[smem:$0x3FB9] =	sst s10  }
0x38: {  	s10 =	sld [smem:$0x3FBA]  }
0x39: {  	_ = 	snop;
	(pc) =	sbr.ind lr, $3  }
0x3a: {  	_ = 	snop  }
0x3b: {  	_ = 	snop  }
0x3c: {  	p2 =	seq.s32 s10, $0x1;
	s10 =	sld [smem:$0x3FB9]  }
0x3d: {  	_ =	shalt  }
0x3e: {  	_ =	shalt  }
0x3f: {  	_ =	shalt  }
0x40: {  	_ =	shalt  }
0x41: {  	_ =	shalt  }
0x42: {  	_ =	shalt  }
0x43: {  	_ =	shalt  }
0x44: {  	_ =	shalt  }
0x45: {  	_ =	shalt  }
0x46: {  	_ =	shalt  }
0x47: {  	_ =	shalt  }
0x48: {  	_ =	shalt  }
0x49: {  	_ =	shalt  }
0x4a: {  	_ =	shalt  }
0x4b: {  	_ =	shalt  }
0x4c: {  	_ =	shalt  }
0x4d: {  	_ =	shalt  }
0x4e: {  	_ =	shalt  }
0x4f: {  	_ =	shalt  }
0x50: {  	_ =	shalt  }
0x51: {  	_ =	shalt  }
0x52: {  	_ =	shalt  }
0x53: {  	_ =	shalt  }
0x54: {  	_ =	shalt  }
0x55: {  	_ =	shalt  }
0x56: {  	_ =	shalt  }
0x57: {  	_ =	shalt  }
0x58: {  	_ =	shalt  }
0x59: {  	_ =	shalt  }
0x5a: {  	_ =	shalt  }
0x5b: {  	_ =	shalt  }
0x5c: {  	_ =	shalt  }
0x5d: {  	_ =	shalt  }
0x5e: {  	_ =	shalt  }
0x5f: {  	_ =	shalt  }
0x60: {  	_ =	shalt  }
0x61: {  	_ =	shalt  }
0x62: {  	_ =	shalt  }
0x63: {  	_ =	shalt  }
0x64: {  	_ =	shalt  }
0x65: {  	_ =	shalt  }
0x66: {  	_ =	shalt  }
0x67: {  	_ =	shalt  }
0x68: {  	_ =	shalt  }
0x69: {  	_ =	shalt  }
0x6a: {  	_ =	shalt  }
0x6b: {  	_ =	shalt  }
0x6c: {  	_ =	shalt  }
0x6d: {  	_ =	shalt  }
0x6e: {  	_ =	shalt  }
0x6f: {  	_ =	shalt  }
0x70: {  	_ =	shalt  }
0x71: {  	_ =	shalt  }
0x72: {  	_ =	shalt  }
0x73: {  	_ =	shalt  }
0x74: {  	_ =	shalt  }
0x75: {  	_ =	shalt  }
0x76: {  	_ =	shalt  }
0x77: {  	_ =	shalt  }
0x78: {  	_ =	shalt  }
0x79: {  	_ =	shalt  }
0x7a: {  	_ =	shalt  }
0x7b: {  	_ =	shalt  }
0x7c: {  	_ =	shalt  }
0x7d: {  	_ =	shalt  }
0x7e: {  	_ =	shalt  }
0x7f: {  	_ =	shalt  }
0x80: {  	_ =	shalt  }
0x81: {  	_ =	shalt  }
0x82: {  	_ =	shalt  }
0x83: {  	_ =	shalt  }
0x84: {  	_ =	shalt  }
0x85: {  	_ =	shalt  }
0x86: {  	_ =	shalt  }
0x87: {  	_ =	shalt  }
.Lfunc_end0:
.L_simem_size_0:
called_computation_lowered:
.L_overlay_start_0:
0x88: {  	s2 =	sld [smem:$0x3FD9]  }
0x89: {  	s3 =	sld [smem:$0x3FFE];
	_ =	sdelay $0x1  }
0x8a: {  	s1 =	srdreg.scid  }
0x8b: {  	s0 =	sand.u32 $0x1, s1  }
0x8c: {  	s17 =	sshll.u32 s0, $0xA;
	s2 =	sadd.s32 s3, s2  }
0x8d: {  	s2 =	sadd.s32 s2, s17  }
0x8e: {  	[smem:$0x3FC5] =	sst s2  }
0x8f: {  	_ = 	snop  }
0x90: {  	s2 =	sld [smem:$0x3FC8];
	(tm) =	ssettm $0x1  }
0x91: {  	s18 =	sld [smem:$0x3FFB];
	_ =	sdelay $0x3  }
0x92: {  	_ =	strace s18  }
0x93: {  	s3 =	sld [smem:$0x3FFC];
	_ =	sdelay $0x3  }
0x94: {  	_ =	strace s3  }
0x95: {  	s3 =	sld [smem:$0x3FFD];
	_ =	sdelay $0x3  }
0x96: {  	_ =	strace s3  }
0x97: {  	_ =	strace $0x8FFFFFFF  }
0x98: {  	s19 =	sld [smem:$0x3FDB];
	_ =	sdelay $0x1  }
0x99: {  	s4 =	simm.s32 $_scs_section_size  }
0x9a: {  	s5 =	simm.s32 $_size__tile_overlayer_lowered;
	s6 =	simm.s32 $_tile_overlayer_lowered  }
0x9b: {  	s22 =	simm.s32 $0x1BFF;
	s21 =	sshll.u32 s6, $0x1;
	s3 =	sadd.s32 s4, s19  }
0x9c: {  	s7 =	simm.s32 $0x0;
	s20 =	sshll.u32 s5, $0x1;
	s5 =	sadd.s32 s21, s3  }
0x9d: {  	[timem:s7], [sflag:s22] =	dma.local [hbm:s5], s20  }
0x9e: {  	_ =	swait.ge [sflag:s22], s20  }
0x9f: {  	s4 =	ssub.s32 $0x0, s20;
	[sflag:s22] =	ssyncset.done $0x0  }
0xa0: {  	[sflag:s22] =	ssyncadd.s32 s4;
	_ =	sdelay $0x1  }
0xa1: {  	s23 =	simm.s32 $0x1B8B  }
0xa2: {  	_ =	swait.ge [sflag:s23], $0x1  }
0xa3: {  	[sflag:s23] =	ssyncset.done $0x0  }
0xa4: {  	s25 =	simm.s32 $0x1B8E;
	s24 =	sld [smem:$0x3FFE];
	[sflag:s23] =	ssyncadd.s32 $0xFFFFFFFF  }
0xa5: {  	s26 =	simm.s32 $execute0_lowered;
	[smem:$0x3FD2] =	sst s25  }
0xa6: {  	s5 =	sshll.u32 s26, $0x1;
	_ =	strace $0x80000046;
	[dreg:$0x1] =	wrdreg $0xFFFFFFFF  }
0xa7: {  	s28 =	simm.s32 $_size_execute0_lowered;
	s3 =	sadd.s32 s3, s5;
	[dreg:$0x0] =	wrdreg $0x0  }
0xa8: {  	s5 =	sshll.u32 s28, $0x1;
	[dreg:$0x2] =	wrdreg s3  }
0xa9: {  	[dreg:$0x3] =	wrdreg s5  }
0xaa: {  	[dreg:$0x4] =	wrdreg $0xC0  }
0xab: {  	_ =	task [dreg:s7], $0x5FFFF  }
0xac: {  	[dreg:$0x1] =	wrdreg $0xFFFFFFFF  }
0xad: {  	[dreg:$0x0] =	wrdreg $0x60  }
0xae: {  	[dreg:$0x2] =	wrdreg s2  }
0xaf: {  	[dreg:$0x3] =	wrdreg s24  }
0xb0: {  	[dreg:$0x4] =	wrdreg $0x9  }
0xb1: {  	_ =	task.clear_ibuf [dreg:s7], $0x5FFFF;
	_ =	strace $0x90000046  }
0xb2: {  	s29 =	simm.s32 $0x9;
	_ =	strace $0x80000048  }
0xb3: {  	_ =	swait.ge [sflag:s29], $0x1  }
0xb4: {  	[sflag:s29] =	ssyncadd.s32 $0xFFFFFFFF  }
0xb5: {  	_ =	strace $0x90000048  }
0xb6: {  	_ =	sfence  }
0xb7: {  	s30 =	sld [smem:$0x0];
	_ =	sdelay $0x2  }
0xb8: {  	s31 =	sshll.u32 s1, $0xD;
	s1 =	sshrl.u32 s1, $0x2  }
0xb9: {  	s3 =	sand.u32 $0x4000, s31;
	s1 =	sadd.s32 s1, s30  }
0xba: {  	s0 =	sor.u32 s3, s0;
	s1 =	sshll.u32 s1, $0x11  }
0xbb: {  	s0 =	sor.u32 s1, s0  }
0xbc: {  	s0 =	sadd.s32 $0x8F2B, s0  }
0xbd: {  	[sflag:s0] =	ssyncadd.remote.s32 $0x1  }
0xbe: {  	_ =	sfence.sel $0xFFFF  }
0xbf: {  	[dreg:$0x0] =	wrdreg $0xFFFFFFFF;
	(pc) =	sbr.abs _section_cstart, $3  }
0xc0: {  	[dreg:$0x1] =	wrdreg $0xFFFFFFFF  }
0xc1: {  	_ =	task.clear_ibuf [dreg:s7], $0x2FFFF;
	_ =	strace $0x9FFFFFFF  }
0xc2: {  	(tm) =	ssettm $0x7FFFFFFF  }
0xc3: {  	_ =	shalt  }
tec
execute0_lowered:
.L_overlay_start_1:
0x0: {  	(tag) =	ssettag $0x1  }
0x1: {  	s0 =	rddreg [dreg:$0x0]  }
0x2: {  	s1 =	rddreg [dreg:$0x1]  }
0x3: {  	s2 =	srdreg.scid;
	s3 =	stileid.u32  }
0x4: {  	s6 =	simm.s32 $0x0;
	s2 =	sand.u32 $0x1, s2;
	s3 =	sshll.u32 s3, $0x1  }
0x5: {  	[smem:$0x7FF] =	sst s6;
	s3 =	sor.u32 s2, s3  }
0x6: {  	s2 =	ssub.s32 $0x2, s2;
	s4 =	sshll.u32 s3, $0xA;
	s3 =	sshll.u32 s3, $0xB  }
0x7: {  	_ =	strace $0x80000047;
	s5 =	sshrl.u32 s2, $0x1;
	s0 =	sadd.s32 s0, s3  }
0x8: {  	s1 =	sadd.s32 s4, s1;
	[dreg:$0x3] =	wrdreg s0;
	s0 =	sadd.s32 $0x400, s0  }
0x9: {  	s2 =	ssub.s32 s2, s5;
	s30 =	sadd.s32 $0xC00, s1;
	[dreg:$0x4] =	wrdreg s0  }
0xa: {  	v0 =	vimm.f32 $0.0e+00;
	v1 =	vlaneseq.u32;
	s31 =	smax.u32 s2, $0x1;
	[dreg:$0x5] =	wrdreg s30  }
0xb: {  	v2 =	vimm.s32 $0x0;
	v3 =	vimm.s32 $0x8;
	v4 =	vimm.f32 $1.000000000e+00;
	s5 =	simm.s32 $0x4000;
	s2 =	simm.s32 $0x0;
	[dreg:$0x6] =	wrdreg s31  }
.LBB2_1:
0xc: {  	s0 =	rddreg [dreg:$0x3];
	s30 =	sand.u32 $0x70, s6;
	s31 =	sand.u32 $0xC00, s6  }
0xd: {  	[tilespmem:s6], [sflag:$0x1] =	stream.linear.gather [hbm4b:s0+s6], $0x2000, $0x38;
	[tilespmem:$0x6000] =	vst v63  }
0xe: {  	s29 =	rddreg [dreg:$0x4];
	s1 =	simm.s32 $0x2000;
	s0 =	sor.u32 s30, s31  }
0xf: {  	[tilespmem:s1], [sflag:$0x2] =	stream.linear.gather [hbm4b:s29+s6], $0x2000, $0x38;
	[tilespmem:$0x6000] =	vst v63  }
0x10: {  	[tilespmem:s0+$0x4080] =	vst v0  }
0x11: {  	[tilespmem:s0+$0x4100] =	vst v0  }
0x12: {  	[tilespmem:s0+$0x4180] =	vst v0  }
0x13: {  	[tilespmem:s0+$0x4200] =	vst v0  }
0x14: {  	[dreg:$0x7] =	wrdreg s2;
	[tilespmem:s0+$0x4280] =	vst v0  }
0x15: {  	s3 =	sor.u32 s6, s6;
	s2 =	simm.s32 $0x0;
	s1 =	simm.s32 $0x10;
	[tilespmem:s0+$0x4300] =	vst v0  }
.LBB2_2:
0x16: {  	p0 =	sne.s32 s1, $0x1F0;
	[tilespmem:s0+$0x4000] =	vst v0;
	s3 =	sor.u32 $0x380, s3  }
0x17: {  	[tilespmem:s3+$0x4000] =	vst v0  }
0x18: {  	[tilespmem:s0+$0x5000] =	vst v0  }
0x19: {  	[tilespmem:s0+$0x5080] =	vst v0  }
0x1a: {  	[tilespmem:s0+$0x5100] =	vst v0  }
0x1b: {  	[tilespmem:s0+$0x5180] =	vst v0  }
0x1c: {  	[tilespmem:s0+$0x5200] =	vst v0  }
0x1d: {  	s2 =	sadd.s32 $0x80, s2;
	[tilespmem:s0+$0x5280] =	vst v0  }
0x1e: {  	s3 =	sand.u32 $0x70, s1;
	s4 =	sand.u32 $0xC00, s2;
	[tilespmem:s0+$0x5300] =	vst v0  }
0x1f: {  	[tilespmem:s0+$0x5380] =	vst v0;
	s0 =	sor.u32 s3, s4  }
0x20: {  	[tilespmem:s0+$0x4080] =	vst v0  }
.Ltmp0:
0x21: {  	[tilespmem:s0+$0x4100] =	vst v0;
	(pc) =	sbr.rel @p0 .LBB2_2-.Ltmp0, $4  }
0x22: {  	[tilespmem:s0+$0x4180] =	vst v0  }
0x23: {  	[tilespmem:s0+$0x4200] =	vst v0  }
0x24: {  	[tilespmem:s0+$0x4280] =	vst v0  }
0x25: {  	s3 =	sor.u32 s2, s1;
	s1 =	sadd.s32 $0x10, s1;
	[tilespmem:s0+$0x4300] =	vst v0  }
0x26: {  	[tilespmem:s0+$0x4000] =	vst v0;
	s1 =	sor.u32 $0x380, s3  }
0x27: {  	[tilespmem:s1+$0x4000] =	vst v0  }
0x28: {  	[tilespmem:s0+$0x5000] =	vst v0  }
0x29: {  	[tilespmem:s0+$0x5080] =	vst v0  }
0x2a: {  	[tilespmem:s0+$0x5100] =	vst v0  }
0x2b: {  	[tilespmem:s0+$0x5180] =	vst v0  }
0x2c: {  	[tilespmem:s0+$0x5200] =	vst v0  }
0x2d: {  	[tilespmem:s0+$0x5280] =	vst v0  }
0x2e: {  	[tilespmem:s0+$0x5300] =	vst v0  }
0x2f: {  	s30 =	simm.s32 $0x1;
	[tilespmem:s0+$0x5380] =	vst v0  }
0x30: {  	_ =	swait.ge [sflag:s30], $0x2000  }
0x31: {  	[sflag:s30] =	ssyncset.done $0x0  }
0x32: {  	s31 =	simm.s32 $0x2;
	[sflag:s30] =	ssyncadd.s32 $0xFFFFE000  }
0x33: {  	_ =	swait.ge [sflag:s31], $0x2000  }
0x34: {  	s13 =	simm.s32 $0x0;
	s14 =	simm.s32 $0x0;
	[sflag:s31] =	ssyncset.done $0x0  }
0x35: {  	s15 =	simm.s32 $0x0;
	s16 =	simm.s32 $0x0;
	[sflag:s31] =	ssyncadd.s32 $0xFFFFE000  }
.LBB2_4:
0x36: {  	s12 =	sand.u32 $0x60, s16;
	s17 =	sand.u32 $0xC00, s15  }
0x37: {  	s0 =	sor.u32 s12, s17  }
0x38: {  	v5 =	vld [tilespmem:s0+$0x0]  }
0x39: {  	s24 =	sor.u32 $0x1000, s17;
	v6 =	vld [tilespmem:s0+$0x80]  }
0x3a: {  	s20 =	sor.u32 $0x1080, s17;
	v7 =	vld [tilespmem:s0+$0x100];
	s1 =	sor.u32 s12, s24  }
0x3b: {  	s11 =	sor.u32 s12, s20;
	v8 =	vld [tilespmem:s1+$0x0]  }
0x3c: {  	s22 =	sor.u32 $0x1100, s17;
	v9 =	vld [tilespmem:s11+$0x0]  }
0x3d: {  	s18 =	sor.u32 s12, s22  }
0x3e: {  	s25 =	sor.u32 $0x1180, s17;
	v11 =	vld [tilespmem:s18+$0x0]  }
0x3f: {  	v10 =	vld [tilespmem:s0+$0x180];
	s19 =	sor.u32 s12, s25;
	vm1 =	vgt.f32 v6, v5  }
0x40: {  	s2 =	sor.u32 $0x1200, s17;
	v5 =	vsel vm1, v6, v5;
	v6 =	vld [tilespmem:s19+$0x0]  }
0x41: {  	s21 =	sand.u32 $0x3, s13;
	v12 =	vld [tilespmem:s0+$0x200];
	s23 =	sor.u32 s12, s2;
	vm0 =	vgt.f32 v9, v8;
	vm2 =	vgt.f32 v7, v5  }
0x42: {  	s1 =	sshll.u32 s21, $0x5;
	v44 =	vld [tilespmem:s23+$0x0];
	s21 =	sor.u32 $0x1280, s17;
	v5 =	vsel vm2, v7, v5;
	v7 =	vsel vm0, v9, v8  }
0x43: {  	v13 =	vld [tilespmem:s0+$0x280];
	s26 =	sadd.s32 s1, s15;
	s28 =	sor.u32 s12, s21;
	vm4 =	vgt.f32 v11, v7  }
0x44: {  	s0 =	sor.u32 $0x300, s26;
	v45 =	vld [tilespmem:s28+$0x0];
	s19 =	sor.u32 $0x1300, s17;
	v46 =	vsel vm1, $0x1, v2;
	vm3 =	vgt.f32 v10, v5;
	v7 =	vsel vm4, v11, v7  }
0x45: {  	s23 =	sor.u32 $0x1380, s17;
	v47 =	vld [tilespmem:s0+$0x0];
	s30 =	sor.u32 s12, s19;
	v50 =	vsel vm0, $0x9, v3;
	v5 =	vsel vm3, v10, v5;
	vm5 =	vgt.f32 v6, v7  }
0x46: {  	s29 =	sor.u32 s16, s15;
	s31 =	sor.u32 s12, s23;
	v10 =	vsel vm2, $0x2, v46;
	vm11 =	vgt.f32 v12, v5;
	v6 =	vsel vm5, v6, v7;
	v7 =	vld [tilespmem:s30+$0x0]  }
0x47: {  	v49 =	vld [tilespmem:s31+$0x0];
	s0 =	sor.u32 $0x380, s29;
	v10 =	vsel vm3, $0x3, v10;
	v5 =	vsel vm11, v12, v5;
	vm13 =	vgt.f32 v44, v6  }
0x48: {  	v48 =	vld [tilespmem:s0+$0x0];
	v10 =	vsel vm11, $0x4, v10;
	vm12 =	vgt.f32 v13, v5;
	v6 =	vsel vm13, v44, v6  }
0x49: {  	v5 =	vsel vm12, v13, v5;
	v10 =	vsel vm12, $0x5, v10;
	vm14 =	vgt.f32 v45, v6  }
0x4a: {  	v13 =	vsel vm4, $0xA, v50;
	vm15 =	vgt.f32 v47, v5;
	v6 =	vsel vm14, v45, v6  }
0x4b: {  	v51 =	vsel vm5, $0xB, v13;
	v5 =	vsel vm15, v47, v5;
	vm4 =	vgt.f32 v7, v6  }
0x4c: {  	v10 =	vsel vm15, $0x6, v10;
	v9 =	vsel vm13, $0xC, v51;
	v6 =	vsel vm4, v7, v6  }
0x4d: {  	vm5 =	vgt.f32 v48, v5;
	v7 =	vsel vm14, $0xD, v9;
	vm6 =	vgt.f32 v49, v6  }
0x4e: {  	v5 =	vsel vm5, v48, v5;
	v7 =	vsel vm4, $0xE, v7;
	v6 =	vsel vm6, v49, v6  }
0x4f: {  	v52 =	vsel vm5, $0x7, v10;
	v7 =	vsel vm6, $0xF, v7;
	vm7 =	vgt.f32 v6, v5  }
0x50: {  	v5 =	vsel vm7, v7, v52  }
0x51: {  	v6 =	vmov s16;
	v7 =	vshll.u32 v5, $0x9;
	v5 =	vshll.u32 v5, $0x7  }
0x52: {  	v6 =	vshll.u32 v6, $0x3;
	v7 =	vand.u32 $0x7FFFF000, v7;
	v5 =	vand.u32 $0x380, v5  }
0x53: {  	v53 =	vor.u32 s16, v1;
	v6 =	vand.u32 $0xC00, v6;
	v5 =	vor.u32 v7, v5  }
0x54: {  	v7 =	vand.u32 $0x6F, v53;
	v5 =	vor.u32 v6, v5  }
0x55: {  	v5 =	vor.u32 v7, v5;
	_ =	sdelay $0x3  }
0x56: {  	s26 =	sor.u32 $0x2000, s17  }
0x57: {  	s28 =	sor.u32 $0x2080, s17;
	s1 =	sor.u32 s12, s26;
	[tilespmem:v5+s5+$0x0] =	vst.idx.add.f32.msk $0xffff, v4  }
0x58: {  	[dreg:$0x8] =	wrdreg s2;
	s31 =	sor.u32 $0x3000, s17;
	s2 =	sor.u32 s12, s28;
	v5 =	vld [tilespmem:s1+$0x0]  }
0x59: {  	s4 =	sor.u32 s12, s31;
	s0 =	sor.u32 $0x3080, s17;
	v54 =	vld [tilespmem:s2+$0x0]  }
0x5a: {  	s29 =	sor.u32 $0x2100, s17;
	s5 =	sor.u32 s12, s0;
	v56 =	vld [tilespmem:s4+$0x0]  }
0x5b: {  	s7 =	sor.u32 $0x3100, s17;
	s3 =	sor.u32 s12, s29;
	v57 =	vld [tilespmem:s5+$0x0]  }
0x5c: {  	s8 =	sor.u32 s12, s7;
	s30 =	sor.u32 $0x2180, s17;
	v55 =	vld [tilespmem:s3+$0x0]  }
0x5d: {  	s6 =	sor.u32 s12, s30;
	v59 =	vld [tilespmem:s8+$0x0];
	s5 =	sor.u32 $0x3180, s17  }
0x5e: {  	v58 =	vld [tilespmem:s6+$0x0];
	s1 =	sor.u32 $0x2200, s17;
	s9 =	sor.u32 s12, s5  }
0x5f: {  	s6 =	sor.u32 $0x3200, s17;
	s3 =	sor.u32 s12, s1;
	v60 =	vld [tilespmem:s9+$0x0];
	vm8 =	vgt.f32 v54, v5  }
0x60: {  	s4 =	sor.u32 $0x2280, s17;
	s11 =	sor.u32 s12, s6;
	v14 =	vld [tilespmem:s3+$0x0];
	vm10 =	vgt.f32 v57, v56;
	v5 =	vsel vm8, v54, v5  }
0x61: {  	s10 =	sor.u32 s12, s4;
	v62 =	vld [tilespmem:s11+$0x0];
	s9 =	sor.u32 $0x3280, s17;
	v61 =	vsel vm10, v57, v56;
	vm9 =	vgt.f32 v55, v5  }
0x62: {  	v15 =	vld [tilespmem:s10+$0x0];
	s3 =	sor.u32 $0x2300, s17;
	s18 =	sor.u32 s12, s9;
	vm12 =	vgt.f32 v59, v61;
	v5 =	vsel vm9, v55, v5  }
0x63: {  	s11 =	sor.u32 $0x3300, s17;
	s8 =	sor.u32 s12, s3;
	v63 =	vld [tilespmem:s18+$0x0];
	v17 =	vsel vm8, $0x1, v2;
	v9 =	vsel vm12, v59, v61;
	vm11 =	vgt.f32 v58, v5  }
0x64: {  	s2 =	sor.u32 $0x3380, s17;
	s10 =	sor.u32 s12, s11;
	v18 =	vld [tilespmem:s8+$0x0];
	v22 =	vsel vm10, $0x9, v3;
	vm14 =	vgt.f32 v60, v9;
	v5 =	vsel vm11, v58, v5  }
0x65: {  	s8 =	sor.u32 $0x2380, s17;
	v19 =	vld [tilespmem:s10+$0x0];
	s18 =	sor.u32 s12, s2;
	v12 =	vsel vm9, $0x2, v17;
	v8 =	vsel vm14, v60, v9;
	vm13 =	vgt.f32 v14, v5  }
0x66: {  	s10 =	sor.u32 s12, s8;
	v21 =	vld [tilespmem:s18+$0x0];
	v12 =	vsel vm11, $0x3, v12;
	vm6 =	vgt.f32 v62, v8;
	v5 =	vsel vm13, v14, v5  }
0x67: {  	v20 =	vld [tilespmem:s10+$0x0];
	v12 =	vsel vm13, $0x4, v12;
	v8 =	vsel vm6, v62, v8;
	vm15 =	vgt.f32 v15, v5  }
0x68: {  	vm7 =	vgt.f32 v63, v8;
	v5 =	vsel vm15, v15, v5;
	v12 =	vsel vm15, $0x5, v12  }
0x69: {  	v15 =	vsel vm12, $0xA, v22;
	v8 =	vsel vm7, v63, v8;
	vm8 =	vgt.f32 v18, v5  }
0x6a: {  	v23 =	vsel vm14, $0xB, v15;
	vm9 =	vgt.f32 v19, v8;
	v5 =	vsel vm8, v18, v5  }
0x6b: {  	v12 =	vsel vm8, $0x6, v12;
	v11 =	vsel vm6, $0xC, v23;
	v8 =	vsel vm9, v19, v8  }
0x6c: {  	vm10 =	vgt.f32 v20, v5;
	v11 =	vsel vm7, $0xD, v11;
	vm11 =	vgt.f32 v21, v8  }
0x6d: {  	v5 =	vsel vm10, v20, v5;
	v24 =	vsel vm9, $0xE, v11;
	v8 =	vsel vm11, v21, v8  }
0x6e: {  	v25 =	vsel vm10, $0x7, v12;
	v9 =	vsel vm11, $0xF, v24;
	vm12 =	vgt.f32 v8, v5  }
0x6f: {  	v5 =	vsel vm12, v9, v25  }
0x70: {  	v26 =	vshll.u32 v5, $0x9;
	v5 =	vshll.u32 v5, $0x7  }
0x71: {  	v8 =	vand.u32 $0x7FFFF000, v26;
	v5 =	vand.u32 $0x380, v5  }
0x72: {  	v5 =	vor.u32 v8, v5  }
0x73: {  	v5 =	vor.u32 v6, v5  }
0x74: {  	v5 =	vor.u32 v7, v5;
	_ =	sdelay $0x2  }
0x75: {  	s10 =	sadd.s32 $0x10, s16  }
0x76: {  	s18 =	simm.s32 $0x4000;
	s12 =	sand.u32 $0x70, s10  }
0x77: {  	s24 =	sor.u32 s12, s24;
	[tilespmem:v5+s18+$0x0] =	vst.idx.add.f32.msk $0xffff, v4  }
0x78: {  	s17 =	sor.u32 s12, s17;
	v5 =	vld [tilespmem:s24+$0x0]  }
0x79: {  	v6 =	vld [tilespmem:s17+$0x0]  }
0x7a: {  	s20 =	sor.u32 s12, s20;
	v7 =	vld [tilespmem:s17+$0x80]  }
0x7b: {  	v27 =	vld [tilespmem:s20+$0x0]  }
0x7c: {  	v28 =	vld [tilespmem:s17+$0x100];
	s24 =	sor.u32 s12, s22  }
0x7d: {  	v29 =	vld [tilespmem:s24+$0x0]  }
0x7e: {  	s18 =	sor.u32 s12, s25;
	s25 =	rddreg [dreg:$0x8];
	v30 =	vld [tilespmem:s17+$0x180]  }
0x7f: {  	v31 =	vld [tilespmem:s18+$0x0];
	s18 =	sor.u32 s12, s25  }
0x80: {  	s22 =	sand.u32 $0x7, s14;
	v33 =	vld [tilespmem:s18+$0x0];
	vm13 =	vgt.f32 v7, v6;
	vm15 =	vgt.f32 v27, v5  }
0x81: {  	s24 =	sshll.u32 s22, $0x4;
	v6 =	vsel vm13, v7, v6;
	v7 =	vld [tilespmem:s17+$0x200];
	v5 =	vsel vm15, v27, v5  }
0x82: {  	v32 =	vld [tilespmem:s17+$0x280];
	s20 =	sor.u32 s12, s21;
	s17 =	sadd.s32 s15, s24;
	v35 =	vsel vm13, $0x1, v2;
	vm14 =	vgt.f32 v28, v6;
	vm9 =	vgt.f32 v29, v5  }
0x83: {  	v34 =	vld [tilespmem:s20+$0x0];
	s22 =	sor.u32 s12, s19;
	v39 =	vsel vm15, $0x9, v3;
	s17 =	sadd.s32 $0x10, s17;
	v6 =	vsel vm14, v28, v6;
	v5 =	vsel vm9, v29, v5  }
0x84: {  	v37 =	vld [tilespmem:s22+$0x0];
	s17 =	sor.u32 $0x300, s17;
	v9 =	vsel vm14, $0x2, v35;
	vm8 =	vgt.f32 v30, v6;
	vm11 =	vgt.f32 v31, v5  }
0x85: {  	s21 =	sor.u32 s10, s15;
	s24 =	sor.u32 s12, s23;
	v13 =	vsel vm9, $0xA, v39;
	v36 =	vld [tilespmem:s17+$0x0];
	v6 =	vsel vm8, v30, v6;
	v5 =	vsel vm11, v31, v5  }
0x86: {  	v38 =	vld [tilespmem:s24+$0x0];
	s17 =	sor.u32 $0x380, s21;
	v9 =	vsel vm8, $0x3, v9;
	vm10 =	vgt.f32 v7, v6;
	vm13 =	vgt.f32 v33, v5  }
0x87: {  	v40 =	vsel vm11, $0xB, v13;
	v6 =	vsel vm10, v7, v6;
	v7 =	vld [tilespmem:s17+$0x0];
	v5 =	vsel vm13, v33, v5  }
0x88: {  	v9 =	vsel vm10, $0x4, v9;
	vm12 =	vgt.f32 v32, v6;
	vm14 =	vgt.f32 v34, v5  }
0x89: {  	v8 =	vsel vm13, $0xC, v40;
	v6 =	vsel vm12, v32, v6;
	v5 =	vsel vm14, v34, v5  }
0x8a: {  	v9 =	vsel vm12, $0x5, v9;
	vm15 =	vgt.f32 v36, v6;
	vm5 =	vgt.f32 v37, v5  }
0x8b: {  	v8 =	vsel vm14, $0xD, v8;
	v6 =	vsel vm15, v36, v6;
	v5 =	vsel vm5, v37, v5  }
0x8c: {  	v9 =	vsel vm15, $0x6, v9;
	vm6 =	vgt.f32 v7, v6;
	vm7 =	vgt.f32 v38, v5  }
0x8d: {  	v6 =	vsel vm6, v7, v6;
	v7 =	vsel vm5, $0xE, v8;
	v5 =	vsel vm7, v38, v5  }
0x8e: {  	v41 =	vsel vm6, $0x7, v9;
	v7 =	vsel vm7, $0xF, v7;
	vm8 =	vgt.f32 v5, v6  }
0x8f: {  	v5 =	vsel vm8, v7, v41  }
0x90: {  	v6 =	vmov s10;
	v7 =	vshll.u32 v5, $0x9;
	v5 =	vshll.u32 v5, $0x7  }
0x91: {  	v6 =	vshll.u32 v6, $0x3;
	v7 =	vand.u32 $0x7FFFF000, v7;
	v5 =	vand.u32 $0x380, v5  }
0x92: {  	v42 =	vor.u32 s10, v1;
	v6 =	vand.u32 $0xC00, v6;
	v5 =	vor.u32 v7, v5  }
0x93: {  	v7 =	vand.u32 $0x7F, v42;
	v5 =	vor.u32 v6, v5  }
0x94: {  	v5 =	vor.u32 v7, v5;
	_ =	sdelay $0x3  }
0x95: {  	s25 =	simm.s32 $0x4000  }
0x96: {  	s26 =	sor.u32 s12, s26;
	[tilespmem:v5+s25+$0x0] =	vst.idx.add.f32.msk $0xffff, v4  }
0x97: {  	s17 =	sor.u32 s12, s28;
	v5 =	vld [tilespmem:s26+$0x0]  }
0x98: {  	s19 =	sor.u32 s12, s31;
	v43 =	vld [tilespmem:s17+$0x0]  }
0x99: {  	s0 =	sor.u32 s12, s0;
	v45 =	vld [tilespmem:s19+$0x0]  }
0x9a: {  	s18 =	sor.u32 s12, s29;
	v46 =	vld [tilespmem:s0+$0x0]  }
0x9b: {  	s21 =	sor.u32 s12, s7;
	v44 =	vld [tilespmem:s18+$0x0]  }
0x9c: {  	s20 =	sor.u32 s12, s30;
	v48 =	vld [tilespmem:s21+$0x0]  }
0x9d: {  	s23 =	sor.u32 s12, s5;
	v47 =	vld [tilespmem:s20+$0x0]  }
0x9e: {  	s22 =	sor.u32 s12, s1;
	v50 =	vld [tilespmem:s23+$0x0]  }
0x9f: {  	s25 =	sor.u32 s12, s6;
	v49 =	vld [tilespmem:s22+$0x0];
	vm9 =	vgt.f32 v43, v5;
	vm11 =	vgt.f32 v46, v45  }
0xa0: {  	s24 =	sor.u32 s12, s4;
	v16 =	vld [tilespmem:s25+$0x0];
	v5 =	vsel vm9, v43, v5;
	v52 =	vsel vm11, v46, v45  }
0xa1: {  	v51 =	vld [tilespmem:s24+$0x0];
	s26 =	sor.u32 s12, s9;
	v55 =	vsel vm9, $0x1, v2;
	vm10 =	vgt.f32 v44, v5;
	vm13 =	vgt.f32 v48, v52  }
0xa2: {  	s28 =	sor.u32 s12, s3;
	v53 =	vld [tilespmem:s26+$0x0];
	v61 =	vsel vm11, $0x9, v3;
	v5 =	vsel vm10, v44, v5;
	v9 =	vsel vm13, v48, v52  }
0xa3: {  	s29 =	sor.u32 s12, s11;
	v54 =	vld [tilespmem:s28+$0x0];
	v12 =	vsel vm10, $0x2, v55;
	vm12 =	vgt.f32 v47, v5;
	vm15 =	vgt.f32 v50, v9  }
0xa4: {  	s30 =	sor.u32 s12, s8;
	v56 =	vld [tilespmem:s29+$0x0];
	v62 =	vsel vm13, $0xA, v61;
	v5 =	vsel vm12, v47, v5;
	v9 =	vsel vm15, v50, v9  }
0xa5: {  	s31 =	sor.u32 s12, s2;
	v57 =	vld [tilespmem:s30+$0x0];
	v12 =	vsel vm12, $0x3, v12;
	vm14 =	vgt.f32 v49, v5;
	vm9 =	vgt.f32 v16, v9  }
0xa6: {  	v58 =	vld [tilespmem:s31+$0x0];
	v10 =	vsel vm15, $0xB, v62;
	v5 =	vsel vm14, v49, v5;
	v59 =	vsel vm9, v16, v9  }
0xa7: {  	v12 =	vsel vm14, $0x4, v12;
	vm8 =	vgt.f32 v51, v5;
	vm10 =	vgt.f32 v53, v59  }
0xa8: {  	v10 =	vsel vm9, $0xC, v10;
	v5 =	vsel vm8, v51, v5;
	v8 =	vsel vm10, v53, v59  }
0xa9: {  	v60 =	vsel vm8, $0x5, v12;
	vm11 =	vgt.f32 v54, v5;
	vm12 =	vgt.f32 v56, v8  }
0xaa: {  	v10 =	vsel vm10, $0xD, v10;
	v5 =	vsel vm11, v54, v5;
	v8 =	vsel vm12, v56, v8  }
0xab: {  	v9 =	vsel vm11, $0x6, v60;
	vm13 =	vgt.f32 v57, v5;
	vm14 =	vgt.f32 v58, v8  }
0xac: {  	v10 =	vsel vm12, $0xE, v10;
	v5 =	vsel vm13, v57, v5;
	v8 =	vsel vm14, v58, v8  }
0xad: {  	v9 =	vsel vm13, $0x7, v9;
	v10 =	vsel vm14, $0xF, v10;
	vm15 =	vgt.f32 v8, v5  }
0xae: {  	v5 =	vsel vm15, v10, v9  }
0xaf: {  	v63 =	vshll.u32 v5, $0x9;
	v5 =	vshll.u32 v5, $0x7  }
0xb0: {  	v8 =	vand.u32 $0x7FFFF000, v63;
	v5 =	vand.u32 $0x380, v5  }
0xb1: {  	v5 =	vor.u32 v8, v5  }
0xb2: {  	v5 =	vor.u32 v6, v5  }
0xb3: {  	p0 =	sne.s32 s16, $0x1E0;
	v5 =	vor.u32 v7, v5  }
.Ltmp1:
0xb4: {  	_ = 	snop;
	(pc) =	sbr.rel @p0 .LBB2_4-.Ltmp1, $3  }
0xb5: {  	_ =	sdelay $0x1  }
0xb6: {  	s13 =	sadd.s32 $0x1, s13;
	s5 =	simm.s32 $0x4000  }
0xb7: {  	s16 =	sadd.s32 $0x20, s16;
	s14 =	sadd.s32 $0x2, s14;
	s15 =	sadd.s32 $0x100, s15;
	[tilespmem:v5+s5+$0x0] =	vst.idx.add.f32.msk $0xffff, v4  }
0xb8: {  	s6 =	simm.s32 $0x0;
	s0 =	rddreg [dreg:$0x5];
	s1 =	simm.s32 $0x3  }
0xb9: {  	[hbm4b:s0+s6] =	stream.linear.scatter [tilespmem:s5], [sflag:$0x3], $0x2000, $0x38;
	[tilespmem:$0x6000] =	vst v63  }
0xba: {  	_ =	swait.ge [sflag:s1], $0x2000  }
0xbb: {  	s2 =	rddreg [dreg:$0x7]  }
0xbc: {  	s31 =	rddreg [dreg:$0x6];
	s2 =	sadd.s32 $0x1, s2  }
0xbd: {  	p0 =	sne.s32 s2, s31  }
.Ltmp2:
0xbe: {  	_ = 	snop;
	(pc) =	sbr.rel @p0 .LBB2_1-.Ltmp2, $3  }
0xbf: {  	_ =	sdelay $0x1  }
0xc0: {  	[sflag:s1] =	ssyncset.done $0x0  }
0xc1: {  	[sflag:s1] =	ssyncadd.s32 $0xFFFFE000  }
0xc2: {  	_ =	sfence.sel $0x180000  }
0xc3: {  	[bflag:$0x0] =	sbarrier.arrive $0xFFFF  }
0xc4: {  	_ =	strace $0x90000047  }
0xc5: {  	s0 =	stileid.u32;
	[bflag:$0x2] =	sbarrier.arrive $0xFFFF  }
0xc6: {  	p0 =	sne.s32 s0, $0x0;
	s0 =	rddreg [dreg:$0x2]  }
0xc7: {  	s0 =	sadd.s32 @!p0 $0x100000, s0  }
0xc8: {  	[sflag:s0] =	ssyncadd.tile.s32 @!p0 $0x1;
	_ =	shalt  }
.Lfunc_end2:
_tile_overlayer_lowered:
.L_overlay_start_2:
0xc9: {  	(tag) =	ssettag $0x2  }
0xca: {  	s0 =	rddreg [dreg:$0x0];
	s2 =	stileid.u32  }
0xcb: {  	s1 =	rddreg [dreg:$0x1];
	p0 =	sne.s32 s2, $0x0  }
0xcc: {  	s3 =	rddreg [dreg:$0x2];
	[bflag:$0x3] =	sbarrier.arrive $0xFFFF;
	s2 =	simm.s32 @!p0 $0x1C03  }
0xcd: {  	[timem:s3], [sflag:s2] =	dma.local @!p0 [hbm:s0], s1  }
0xce: {  	s0 =	simm.s32 @!p0 $0x3  }
0xcf: {  	_ =	swait.ge @!p0 [sflag:s0], s1  }
0xd0: {  	s1 =	ssub.s32 @!p0 $0x0, s1;
	[sflag:s0] =	ssyncset.done @!p0 $0x0  }
0xd1: {  	[sflag:s0] =	ssyncadd.s32 @!p0 s1  }
0xd2: {  	[bflag:$0x3] =	sbarrier.arrive $0xFFFF  }
0xd3: {  	_ =	shalt  }

</sc_bundles>
